<compile_context>
chip_gen: v7x
topology: tpu7x:2x2x1
jax: 0.10.2.dev20260603
libtpu: 0.0.44.dev20260713+nightly
codegen_flags: <defaults>
</compile_context>

<pallas_src>
import functools

import jax
import jax.numpy as jnp
from jax import lax
from jax.experimental import pallas as pl
from jax.experimental.pallas import tpu as pltpu
from jax.experimental.pallas import tpu_sc as plsc

N = 10000
E = 160000
D = 256
H = 128
CH = 80
EPT = E // 16
NCH = EPT // CH
CHD = 125
NCHD = EPT // CHD
RPT = 624
TAIL = N - 16 * RPT
ZR = 156

_MESH = plsc.VectorSubcoreMesh(
    core_axis_name="c", subcore_axis_name="s", num_cores=2, num_subcores=16)



@functools.partial(
    pl.kernel,
    out_type=jax.ShapeDtypeStruct((2 * N, 16), jnp.float32),
    mesh=_MESH,
    scratch_types=[
        pltpu.VMEM((NCHD, CHD), jnp.int32),
        pltpu.VMEM((CHD, 16), jnp.float32),
        pltpu.VMEM((ZR, 16), jnp.float32),
        pltpu.VMEM_SHARED((N, 16), jnp.float32),
    ],
)
def _sc_degree(dst_hbm, out_hbm, didx, ones_v, zb, acc):
    c = lax.axis_index("c")
    s = lax.axis_index("s")

    pltpu.sync_copy(dst_hbm.at[pl.ds(pl.multiple_of(s * NCHD, 8), NCHD)], didx)

    def _fill_ones(i, carry):
        ones_v[i] = jnp.ones((16,), jnp.float32)
        return carry

    lax.fori_loop(0, CHD, _fill_ones, 0)

    def _fill_zero(i, carry):
        zb[i] = jnp.zeros((16,), jnp.float32)
        return carry

    lax.fori_loop(0, ZR, _fill_zero, 0)

    row0 = pl.multiple_of(s * RPT, 8)
    for k in range(RPT // ZR):
        pltpu.sync_copy(zb, acc.at[pl.ds(row0 + k * ZR, ZR)])

    @pl.when(s == 15)
    def _zero_tail():
        pltpu.sync_copy(zb.at[pl.ds(0, TAIL)], acc.at[pl.ds(N - TAIL, TAIL)])

    plsc.subcore_barrier()

    def _chunk(k, carry):
        pltpu.sync_copy(ones_v, acc.at[didx.at[k]], add=True)
        return carry

    lax.fori_loop(0, NCHD, _chunk, 0)
    plsc.subcore_barrier()
    pltpu.sync_copy(acc.at[pl.ds(row0, RPT)],
                    out_hbm.at[pl.ds(pl.multiple_of(c * N + s * RPT, 8), RPT)])

    @pl.when(s == 15)
    def _copy_tail():
        pltpu.sync_copy(
            acc.at[pl.ds(N - TAIL, TAIL)],
            out_hbm.at[pl.ds(pl.multiple_of(c * N + N - TAIL, 8), TAIL)])


@functools.partial(
    pl.kernel,
    out_type=jax.ShapeDtypeStruct((2 * N, H), jnp.float32),
    mesh=_MESH,
    scratch_types=[
        pltpu.VMEM((CH,), jnp.int32),
        pltpu.VMEM((CH,), jnp.int32),
        pltpu.VMEM((CH,), jnp.int32),
        pltpu.VMEM((CH,), jnp.int32),
        pltpu.VMEM((CH, H), jnp.float32),
        pltpu.VMEM((CH, H), jnp.float32),
        pltpu.VMEM((ZR, H), jnp.float32),
        pltpu.VMEM_SHARED((N, H), jnp.float32),
        pltpu.SemaphoreType.DMA,
    ],
)
def _sc_aggregate(y_hbm, src2_hbm, dst_hbm, out_hbm,
                  sidx_a, sidx_b, didx_a, didx_b, rows_a, rows_b,
                  zb, acc, sem_g):
    c = lax.axis_index("c")
    s = lax.axis_index("s")
    ebase = c * E + s * EPT
    dbase = s * EPT

    def _fetch(k, si, di):
        pltpu.sync_copy(
            src2_hbm.at[pl.ds(pl.multiple_of(ebase + k * CH, 8), CH)], si)
        pltpu.sync_copy(
            dst_hbm.at[pl.ds(pl.multiple_of(dbase + k * CH, 8), CH)], di)

    def _gather(si, rv):
        pltpu.async_copy(y_hbm.at[si], rv, sem_g)

    def _gwait(si, rv):
        pltpu.make_async_copy(y_hbm.at[si], rv, sem_g).wait()

    def _scat(rv, di):
        pltpu.sync_copy(rv, acc.at[di], add=True)

    def _fill_zero(i, carry):
        for j in range(H // 16):
            zb[i, pl.ds(j * 16, 16)] = jnp.zeros((16,), jnp.float32)
        return carry

    lax.fori_loop(0, ZR, _fill_zero, 0)

    row0 = pl.multiple_of(s * RPT, 8)
    for k in range(RPT // ZR):
        pltpu.sync_copy(zb, acc.at[pl.ds(row0 + k * ZR, ZR)])

    @pl.when(s == 15)
    def _zero_tail():
        pltpu.sync_copy(zb.at[pl.ds(0, TAIL)], acc.at[pl.ds(N - TAIL, TAIL)])

    _fetch(0, sidx_a, didx_a)
    _gather(sidx_a, rows_a)
    plsc.subcore_barrier()

    def _pair(i, carry):
        a = 2 * i
        _fetch(a + 1, sidx_b, didx_b)
        _gwait(sidx_a, rows_a)
        _gather(sidx_b, rows_b)
        _scat(rows_a, didx_a)
        _fetch(a + 2, sidx_a, didx_a)
        _gwait(sidx_b, rows_b)
        _gather(sidx_a, rows_a)
        _scat(rows_b, didx_b)
        return carry

    lax.fori_loop(0, (NCH - 1) // 2, _pair, 0)
    _gwait(sidx_a, rows_a)
    _scat(rows_a, didx_a)
    plsc.subcore_barrier()
    pltpu.sync_copy(acc.at[pl.ds(row0, RPT)],
                    out_hbm.at[pl.ds(pl.multiple_of(c * N + s * RPT, 8), RPT)])

    @pl.when(s == 15)
    def _copy_tail():
        pltpu.sync_copy(
            acc.at[pl.ds(N - TAIL, TAIL)],
            out_hbm.at[pl.ds(pl.multiple_of(c * N + N - TAIL, 8), TAIL)])



_BN = 2000
_NB = N // _BN


def _dinv_of(deg_ref):
    return lax.rsqrt(deg_ref[:, 0:1] + 1.0)


def _tc1_body(x_ref, w_ref, deg_ref, out_ref):
    dinv = _dinv_of(deg_ref)
    xw = jnp.dot(x_ref[...], w_ref[...],
                 preferred_element_type=jnp.float32,
                 precision=lax.Precision.HIGHEST)
    y = xw * dinv
    out_ref[0] = y[:, :H]
    out_ref[1] = y[:, H:]


def _tc1(x, w0, deg2):
    return pl.pallas_call(
        _tc1_body,
        grid=(_NB,),
        in_specs=[
            pl.BlockSpec((_BN, D), lambda i: (i, 0)),
            pl.BlockSpec((D, D), lambda i: (0, 0)),
            pl.BlockSpec((_BN, 16), lambda i: (i, 0)),
        ],
        out_specs=pl.BlockSpec((2, _BN, H), lambda i: (0, i, 0)),
        out_shape=jax.ShapeDtypeStruct((2, N, H), jnp.float32),
    )(x, w0, deg2)


def _tc2_body(agg_a, agg_b, y_a, y_b, deg_ref, b0_ref, w_ref, out_ref):
    dinv = _dinv_of(deg_ref)
    ha = jnp.maximum(dinv * (agg_a[...] + y_a[...]) + b0_ref[0:1, :], 0.0)
    hb = jnp.maximum(dinv * (agg_b[...] + y_b[...]) + b0_ref[1:2, :], 0.0)
    h = jnp.concatenate([ha, hb], axis=1)
    xw = jnp.dot(h, w_ref[...],
                 preferred_element_type=jnp.float32,
                 precision=lax.Precision.HIGHEST)
    y = xw * dinv
    out_ref[0] = y[:, :H]
    out_ref[1] = y[:, H:]


def _tc2(agg1, y1, deg2, b0r, w1):
    half_a = pl.BlockSpec((_BN, H), lambda i: (i, 0))
    half_b = pl.BlockSpec((_BN, H), lambda i: (_NB + i, 0))
    return pl.pallas_call(
        _tc2_body,
        grid=(_NB,),
        in_specs=[
            half_a, half_b, half_a, half_b,
            pl.BlockSpec((_BN, 16), lambda i: (i, 0)),
            pl.BlockSpec((2, H), lambda i: (0, 0)),
            pl.BlockSpec((D, D), lambda i: (0, 0)),
        ],
        out_specs=pl.BlockSpec((2, _BN, H), lambda i: (0, i, 0)),
        out_shape=jax.ShapeDtypeStruct((2, N, H), jnp.float32),
    )(agg1, agg1, y1, y1, deg2, b0r, w1)


def _tc3_body(agg_a, agg_b, y_a, y_b, deg_ref, b1_ref, out_ref):
    dinv = _dinv_of(deg_ref)
    za = dinv * (agg_a[...] + y_a[...])
    zb = dinv * (agg_b[...] + y_b[...])
    out_ref[...] = jnp.concatenate([za, zb], axis=1) + b1_ref[...]


def _tc3(agg2, y2, deg2, b1r):
    half_a = pl.BlockSpec((_BN, H), lambda i: (i, 0))
    half_b = pl.BlockSpec((_BN, H), lambda i: (_NB + i, 0))
    return pl.pallas_call(
        _tc3_body,
        grid=(_NB,),
        in_specs=[
            half_a, half_b, half_a, half_b,
            pl.BlockSpec((_BN, 16), lambda i: (i, 0)),
            pl.BlockSpec((1, D), lambda i: (0, 0)),
        ],
        out_specs=pl.BlockSpec((_BN, D), lambda i: (i, 0)),
        out_shape=jax.ShapeDtypeStruct((N, D), jnp.float32),
    )(agg2, agg2, y2, y2, deg2, b1r)



def kernel(ndata_weight, edge_index, W0, b0, W1, b1):
    src = edge_index[0]
    dst = edge_index[1]
    src2 = jnp.concatenate([src, src + N], axis=0)
    dst2 = dst.reshape(E // CHD, CHD)
    b0r = b0.reshape(2, H)
    b1r = b1.reshape(1, D)

    deg2 = _sc_degree(dst2)
    y1 = _tc1(ndata_weight, W0, deg2).reshape(2 * N, H)
    agg1 = _sc_aggregate(y1, src2, dst)
    y2 = _tc2(agg1, y1, deg2, b0r, W1).reshape(2 * N, H)
    agg2 = _sc_aggregate(y2, src2, dst)
    return _tc3(agg2, y2, deg2, b1r)

# --- scband reference (transcript-rebuilt; emitter-appended) ---
"""Pipeline reference for scband-gcn-22531398435301 (READ-ONLY COPY).

The authoritative reference and input builder live on the scoring server;
editing this copy changes nothing except your own understanding.
"""

import jax, jax.numpy as jnp
import numpy as np

N = 10000
E = 160000
D_IN = 256
D_HID = 256


def gcn_conv(x, edge_index, W, b, num_nodes):
    # PyG-style GCNConv: add self loops, symmetric normalization, then scatter-add.
    src = edge_index[0]
    dst = edge_index[1]
    loop = jnp.arange(num_nodes, dtype=edge_index.dtype)
    src = jnp.concatenate([src, loop], axis=0)
    dst = jnp.concatenate([dst, loop], axis=0)
    deg = jnp.zeros((num_nodes,), dtype=x.dtype).at[dst].add(1.0)
    deg_inv_sqrt = jnp.where(deg > 0, jax.lax.rsqrt(jnp.maximum(deg, 1e-12)), 0.0)
    norm = deg_inv_sqrt[src] * deg_inv_sqrt[dst]
    xw = x @ W
    msg = xw[src] * norm[:, None]
    out = jnp.zeros((num_nodes, W.shape[1]), dtype=x.dtype).at[dst].add(msg)
    return out + b


def setup_inputs(seed: int = 0):
    key = jax.random.key(seed)
    ks = jax.random.split(key, 6)
    edge_index = jax.random.randint(ks[0], (2, E), 0, N, dtype=jnp.int32)
    ndata_weight = jax.random.normal(ks[1], (N, D_IN), dtype=jnp.float32)
    W0 = jax.random.normal(ks[2], (D_IN, D_HID), dtype=jnp.float32) * (1.0 / np.sqrt(D_IN))
    b0 = jnp.zeros((D_HID,), dtype=jnp.float32)
    W1 = jax.random.normal(ks[3], (D_HID, D_HID), dtype=jnp.float32) * (1.0 / np.sqrt(D_HID))
    b1 = jnp.zeros((D_HID,), dtype=jnp.float32)
    return {"ndata_weight": ndata_weight, "edge_index": edge_index,
            "W0": W0, "b0": b0, "W1": W1, "b1": b1}


def reference(ndata_weight, edge_index, W0, b0, W1, b1):
    # Faithful translation of GCN.forward with num_layers=2 (loop body runs once,
    # reading from the embedding weight). Dropout is identity in eval mode.
    x = gcn_conv(ndata_weight, edge_index, W0, b0, N)
    x = jax.nn.relu(x)
    # F.dropout(training=False) -> identity
    x = gcn_conv(x, edge_index, W1, b1, N)
    return x

if __name__ == "__main__":
    import jax
    _d = setup_inputs()
    print(jax.jit(kernel)(*tuple(_d.values())))

</pallas_src>

<mosaic_0001>
#map = affine_map<(d0, d1) -> (0, 0)>
#map1 = affine_map<(d0, d1) -> (0)>
module attributes {stable_mosaic.version = 14 : i64} {
  func.func @_sc_aggregate(%arg0: i32, %arg1: i32, %arg2: memref<20000x128xf32, #tpu.memory_space<hbm>>, %arg3: memref<320000xi32, #tpu.memory_space<hbm>>, %arg4: memref<160000xi32, #tpu.memory_space<hbm>>, %arg5: memref<20000x128xf32, #tpu.memory_space<hbm>>, %arg6: memref<80xi32, #tpu.memory_space<vmem>>, %arg7: memref<80xi32, #tpu.memory_space<vmem>>, %arg8: memref<80xi32, #tpu.memory_space<vmem>>, %arg9: memref<80xi32, #tpu.memory_space<vmem>>, %arg10: memref<80x128xf32, #tpu.memory_space<vmem>>, %arg11: memref<80x128xf32, #tpu.memory_space<vmem>>, %arg12: memref<156x128xf32, #tpu.memory_space<vmem>>, %arg13: memref<10000x128xf32, #tpu.memory_space<vmem_shared>>, %arg14: memref<!tpu.dma_semaphore, #tpu.memory_space<semaphore_mem>>) attributes {dimension_semantics = [#tpu.dimension_semantics<core_parallel>, #tpu.dimension_semantics<subcore_parallel>], iteration_bounds = array<i64: 2, 16>, scalar_prefetch = 0 : i64, scratch_operands = 9 : i64, tpu.core_type = #tpu.core_type<sc_vector_subcore>, window_params = [{transform_indices = #map}, {transform_indices = #map1}, {transform_indices = #map1}, {transform_indices = #map}]} {
    %mul3A = arith.constant 160000 : i32
    %mul3A_0 = arith.muli %arg0, %mul3A : i32
    %mul3A_1 = arith.constant 10000 : i32
    %mul3A_2 = arith.muli %arg1, %mul3A_1 : i32
    %add3A = arith.addi %mul3A_0, %mul3A_2 : i32
    %mul3A_3 = arith.constant 10000 : i32
    %mul3A_4 = arith.muli %arg1, %mul3A_3 : i32
    %scan3A = arith.constant 0 : i32
    %scan3A_5 = arith.constant 0 : i32
    %scan3A_6 = arith.constant 156 : i32
    %scan3A_7 = arith.addi %scan3A_5, %scan3A_6 : i32
    %scan3A_8 = arith.constant 1 : i32
    scf.for %scan3A_50 = %scan3A_5 to %scan3A_7 step %scan3A_8  : i32 {
      %broadcast_in_dim3A = arith.constant 0.000000e+00 : f32
      %broadcast_in_dim3A_51 = vector.broadcast %broadcast_in_dim3A : f32 to vector<16xf32>
      %swap3A = arith.index_cast %scan3A_50 : i32 to index
      %swap3A_52 = arith.constant 0 : index
      %swap3A_53 = tpu.vector_load %arg12[%swap3A, %swap3A_52] {strides = array<i32>} : memref<156x128xf32, #tpu.memory_space<vmem>>, vector<1x16xf32>,
      %swap3A_54 = vector.shape_cast %swap3A_53 : vector<1x16xf32> to vector<16xf32>
      %swap3A_55 = vector.shape_cast %broadcast_in_dim3A_51 : vector<16xf32> to vector<1x16xf32>
      tpu.vector_store %arg12[%swap3A, %swap3A_52], %swap3A_55 {strides = array<i32>} : memref<156x128xf32, #tpu.memory_space<vmem>>, vector<1x16xf32>,
      %broadcast_in_dim3A_56 = arith.constant 0.000000e+00 : f32
      %broadcast_in_dim3A_57 = vector.broadcast %broadcast_in_dim3A_56 : f32 to vector<16xf32>
      %swap3A_58 = arith.index_cast %scan3A_50 : i32 to index
      %swap3A_59 = arith.constant 16 : index
      %swap3A_60 = tpu.vector_load %arg12[%swap3A_58, %swap3A_59] {strides = array<i32>} : memref<156x128xf32, #tpu.memory_space<vmem>>, vector<1x16xf32>,
      %swap3A_61 = vector.shape_cast %swap3A_60 : vector<1x16xf32> to vector<16xf32>
      %swap3A_62 = vector.shape_cast %broadcast_in_dim3A_57 : vector<16xf32> to vector<1x16xf32>
      tpu.vector_store %arg12[%swap3A_58, %swap3A_59], %swap3A_62 {strides = array<i32>} : memref<156x128xf32, #tpu.memory_space<vmem>>, vector<1x16xf32>,
      %broadcast_in_dim3A_63 = arith.constant 0.000000e+00 : f32
      %broadcast_in_dim3A_64 = vector.broadcast %broadcast_in_dim3A_63 : f32 to vector<16xf32>
      %swap3A_65 = arith.index_cast %scan3A_50 : i32 to index
      %swap3A_66 = arith.constant 32 : index
      %swap3A_67 = tpu.vector_load %arg12[%swap3A_65, %swap3A_66] {strides = array<i32>} : memref<156x128xf32, #tpu.memory_space<vmem>>, vector<1x16xf32>,
      %swap3A_68 = vector.shape_cast %swap3A_67 : vector<1x16xf32> to vector<16xf32>
      %swap3A_69 = vector.shape_cast %broadcast_in_dim3A_64 : vector<16xf32> to vector<1x16xf32>
      tpu.vector_store %arg12[%swap3A_65, %swap3A_66], %swap3A_69 {strides = array<i32>} : memref<156x128xf32, #tpu.memory_space<vmem>>, vector<1x16xf32>,
      %broadcast_in_dim3A_70 = arith.constant 0.000000e+00 : f32
      %broadcast_in_dim3A_71 = vector.broadcast %broadcast_in_dim3A_70 : f32 to vector<16xf32>
      %swap3A_72 = arith.index_cast %scan3A_50 : i32 to index
      %swap3A_73 = arith.constant 48 : index
      %swap3A_74 = tpu.vector_load %arg12[%swap3A_72, %swap3A_73] {strides = array<i32>} : memref<156x128xf32, #tpu.memory_space<vmem>>, vector<1x16xf32>,
      %swap3A_75 = vector.shape_cast %swap3A_74 : vector<1x16xf32> to vector<16xf32>
      %swap3A_76 = vector.shape_cast %broadcast_in_dim3A_71 : vector<16xf32> to vector<1x16xf32>
      tpu.vector_store %arg12[%swap3A_72, %swap3A_73], %swap3A_76 {strides = array<i32>} : memref<156x128xf32, #tpu.memory_space<vmem>>, vector<1x16xf32>,
      %broadcast_in_dim3A_77 = arith.constant 0.000000e+00 : f32
      %broadcast_in_dim3A_78 = vector.broadcast %broadcast_in_dim3A_77 : f32 to vector<16xf32>
      %swap3A_79 = arith.index_cast %scan3A_50 : i32 to index
      %swap3A_80 = arith.constant 64 : index
      %swap3A_81 = tpu.vector_load %arg12[%swap3A_79, %swap3A_80] {strides = array<i32>} : memref<156x128xf32, #tpu.memory_space<vmem>>, vector<1x16xf32>,
      %swap3A_82 = vector.shape_cast %swap3A_81 : vector<1x16xf32> to vector<16xf32>
      %swap3A_83 = vector.shape_cast %broadcast_in_dim3A_78 : vector<16xf32> to vector<1x16xf32>
      tpu.vector_store %arg12[%swap3A_79, %swap3A_80], %swap3A_83 {strides = array<i32>} : memref<156x128xf32, #tpu.memory_space<vmem>>, vector<1x16xf32>,
      %broadcast_in_dim3A_84 = arith.constant 0.000000e+00 : f32
      %broadcast_in_dim3A_85 = vector.broadcast %broadcast_in_dim3A_84 : f32 to vector<16xf32>
      %swap3A_86 = arith.index_cast %scan3A_50 : i32 to index
      %swap3A_87 = arith.constant 80 : index
      %swap3A_88 = tpu.vector_load %arg12[%swap3A_86, %swap3A_87] {strides = array<i32>} : memref<156x128xf32, #tpu.memory_space<vmem>>, vector<1x16xf32>,
      %swap3A_89 = vector.shape_cast %swap3A_88 : vector<1x16xf32> to vector<16xf32>
      %swap3A_90 = vector.shape_cast %broadcast_in_dim3A_85 : vector<16xf32> to vector<1x16xf32>
      tpu.vector_store %arg12[%swap3A_86, %swap3A_87], %swap3A_90 {strides = array<i32>} : memref<156x128xf32, #tpu.memory_space<vmem>>, vector<1x16xf32>,
      %broadcast_in_dim3A_91 = arith.constant 0.000000e+00 : f32
      %broadcast_in_dim3A_92 = vector.broadcast %broadcast_in_dim3A_91 : f32 to vector<16xf32>
      %swap3A_93 = arith.index_cast %scan3A_50 : i32 to index
      %swap3A_94 = arith.constant 96 : index
      %swap3A_95 = tpu.vector_load %arg12[%swap3A_93, %swap3A_94] {strides = array<i32>} : memref<156x128xf32, #tpu.memory_space<vmem>>, vector<1x16xf32>,
      %swap3A_96 = vector.shape_cast %swap3A_95 : vector<1x16xf32> to vector<16xf32>
      %swap3A_97 = vector.shape_cast %broadcast_in_dim3A_92 : vector<16xf32> to vector<1x16xf32>
      tpu.vector_store %arg12[%swap3A_93, %swap3A_94], %swap3A_97 {strides = array<i32>} : memref<156x128xf32, #tpu.memory_space<vmem>>, vector<1x16xf32>,
      %broadcast_in_dim3A_98 = arith.constant 0.000000e+00 : f32
      %broadcast_in_dim3A_99 = vector.broadcast %broadcast_in_dim3A_98 : f32 to vector<16xf32>
      %swap3A_100 = arith.index_cast %scan3A_50 : i32 to index
      %swap3A_101 = arith.constant 112 : index
      %swap3A_102 = tpu.vector_load %arg12[%swap3A_100, %swap3A_101] {strides = array<i32>} : memref<156x128xf32, #tpu.memory_space<vmem>>, vector<1x16xf32>,
      %swap3A_103 = vector.shape_cast %swap3A_102 : vector<1x16xf32> to vector<16xf32>
      %swap3A_104 = vector.shape_cast %broadcast_in_dim3A_99 : vector<16xf32> to vector<1x16xf32>
      tpu.vector_store %arg12[%swap3A_100, %swap3A_101], %swap3A_104 {strides = array<i32>} : memref<156x128xf32, #tpu.memory_space<vmem>>, vector<1x16xf32>,
    }
    %scan3A_9 = arith.constant 156 : i32
    %mul3A_10 = arith.constant 624 : i32
    %mul3A_11 = arith.muli %arg1, %mul3A_10 : i32
    %multiple_of3A = tpu.assume_multiple %mul3A_11, 8 : i32
    %add3A_12 = arith.constant 0 : i32
    %add3A_13 = arith.addi %multiple_of3A, %add3A_12 : i32
    "tpu.region"() ({
      %run_scoped3A = tpu.sem_alloc : memref<!tpu.dma_semaphore, #tpu.memory_space<semaphore_mem>>
      %dma_start3A_50 = arith.constant 0 : i32
      %dma_start3A_51 = tpu.memref_slice %arg13[%add3A_13, %dma_start3A_50] : memref<10000x128xf32, #tpu.memory_space<vmem_shared>> -> memref<156x128xf32, #tpu.memory_space<vmem_shared>>
      %dma_start3A_52 = arith.constant 0 : i32
      %dma_start3A_53 = tpu.memref_slice %arg13[%add3A_13, %dma_start3A_52] : memref<10000x128xf32, #tpu.memory_space<vmem_shared>> -> memref<156x128xf32, #tpu.memory_space<vmem_shared>>
      tpu.enqueue_dma source(%arg12 : memref<156x128xf32, #tpu.memory_space<vmem>>) target(%dma_start3A_53 : memref<156x128xf32, #tpu.memory_space<vmem_shared>>) target_semaphore(%run_scoped3A : memref<!tpu.dma_semaphore, #tpu.memory_space<semaphore_mem>>)
      %dma_wait3A_54 = arith.constant 0 : i32
      %dma_wait3A_55 = tpu.memref_slice %arg13[%add3A_13, %dma_wait3A_54] : memref<10000x128xf32, #tpu.memory_space<vmem_shared>> -> memref<156x128xf32, #tpu.memory_space<vmem_shared>>
      %dma_wait3A_56 = arith.constant 0 : i32
      %dma_wait3A_57 = tpu.memref_slice %arg13[%add3A_13, %dma_wait3A_56] : memref<10000x128xf32, #tpu.memory_space<vmem_shared>> -> memref<156x128xf32, #tpu.memory_space<vmem_shared>>
      tpu.wait_dma2 semaphore(%run_scoped3A : memref<!tpu.dma_semaphore, #tpu.memory_space<semaphore_mem>>) src(%arg12 : memref<156x128xf32, #tpu.memory_space<vmem>>) dst(%dma_wait3A_57 : memref<156x128xf32, #tpu.memory_space<vmem_shared>>)
      tpu.yield
    }) : () -> ()
    %add3A_14 = arith.constant 156 : i32
    %add3A_15 = arith.addi %multiple_of3A, %add3A_14 : i32
    "tpu.region"() ({
      %run_scoped3A = tpu.sem_alloc : memref<!tpu.dma_semaphore, #tpu.memory_space<semaphore_mem>>
      %dma_start3A_50 = arith.constant 0 : i32
      %dma_start3A_51 = tpu.memref_slice %arg13[%add3A_15, %dma_start3A_50] : memref<10000x128xf32, #tpu.memory_space<vmem_shared>> -> memref<156x128xf32, #tpu.memory_space<vmem_shared>>
      %dma_start3A_52 = arith.constant 0 : i32
      %dma_start3A_53 = tpu.memref_slice %arg13[%add3A_15, %dma_start3A_52] : memref<10000x128xf32, #tpu.memory_space<vmem_shared>> -> memref<156x128xf32, #tpu.memory_space<vmem_shared>>
      tpu.enqueue_dma source(%arg12 : memref<156x128xf32, #tpu.memory_space<vmem>>) target(%dma_start3A_53 : memref<156x128xf32, #tpu.memory_space<vmem_shared>>) target_semaphore(%run_scoped3A : memref<!tpu.dma_semaphore, #tpu.memory_space<semaphore_mem>>)
      %dma_wait3A_54 = arith.constant 0 : i32
      %dma_wait3A_55 = tpu.memref_slice %arg13[%add3A_15, %dma_wait3A_54] : memref<10000x128xf32, #tpu.memory_space<vmem_shared>> -> memref<156x128xf32, #tpu.memory_space<vmem_shared>>
      %dma_wait3A_56 = arith.constant 0 : i32
      %dma_wait3A_57 = tpu.memref_slice %arg13[%add3A_15, %dma_wait3A_56] : memref<10000x128xf32, #tpu.memory_space<vmem_shared>> -> memref<156x128xf32, #tpu.memory_space<vmem_shared>>
      tpu.wait_dma2 semaphore(%run_scoped3A : memref<!tpu.dma_semaphore, #tpu.memory_space<semaphore_mem>>) src(%arg12 : memref<156x128xf32, #tpu.memory_space<vmem>>) dst(%dma_wait3A_57 : memref<156x128xf32, #tpu.memory_space<vmem_shared>>)
      tpu.yield
    }) : () -> ()
    %add3A_16 = arith.constant 312 : i32
    %add3A_17 = arith.addi %multiple_of3A, %add3A_16 : i32
    "tpu.region"() ({
      %run_scoped3A = tpu.sem_alloc : memref<!tpu.dma_semaphore, #tpu.memory_space<semaphore_mem>>
      %dma_start3A_50 = arith.constant 0 : i32
      %dma_start3A_51 = tpu.memref_slice %arg13[%add3A_17, %dma_start3A_50] : memref<10000x128xf32, #tpu.memory_space<vmem_shared>> -> memref<156x128xf32, #tpu.memory_space<vmem_shared>>
      %dma_start3A_52 = arith.constant 0 : i32
      %dma_start3A_53 = tpu.memref_slice %arg13[%add3A_17, %dma_start3A_52] : memref<10000x128xf32, #tpu.memory_space<vmem_shared>> -> memref<156x128xf32, #tpu.memory_space<vmem_shared>>
      tpu.enqueue_dma source(%arg12 : memref<156x128xf32, #tpu.memory_space<vmem>>) target(%dma_start3A_53 : memref<156x128xf32, #tpu.memory_space<vmem_shared>>) target_semaphore(%run_scoped3A : memref<!tpu.dma_semaphore, #tpu.memory_space<semaphore_mem>>)
      %dma_wait3A_54 = arith.constant 0 : i32
      %dma_wait3A_55 = tpu.memref_slice %arg13[%add3A_17, %dma_wait3A_54] : memref<10000x128xf32, #tpu.memory_space<vmem_shared>> -> memref<156x128xf32, #tpu.memory_space<vmem_shared>>
      %dma_wait3A_56 = arith.constant 0 : i32
      %dma_wait3A_57 = tpu.memref_slice %arg13[%add3A_17, %dma_wait3A_56] : memref<10000x128xf32, #tpu.memory_space<vmem_shared>> -> memref<156x128xf32, #tpu.memory_space<vmem_shared>>
      tpu.wait_dma2 semaphore(%run_scoped3A : memref<!tpu.dma_semaphore, #tpu.memory_space<semaphore_mem>>) src(%arg12 : memref<156x128xf32, #tpu.memory_space<vmem>>) dst(%dma_wait3A_57 : memref<156x128xf32, #tpu.memory_space<vmem_shared>>)
      tpu.yield
    }) : () -> ()
    %add3A_18 = arith.constant 468 : i32
    %add3A_19 = arith.addi %multiple_of3A, %add3A_18 : i32
    "tpu.region"() ({
      %run_scoped3A = tpu.sem_alloc : memref<!tpu.dma_semaphore, #tpu.memory_space<semaphore_mem>>
      %dma_start3A_50 = arith.constant 0 : i32
      %dma_start3A_51 = tpu.memref_slice %arg13[%add3A_19, %dma_start3A_50] : memref<10000x128xf32, #tpu.memory_space<vmem_shared>> -> memref<156x128xf32, #tpu.memory_space<vmem_shared>>
      %dma_start3A_52 = arith.constant 0 : i32
      %dma_start3A_53 = tpu.memref_slice %arg13[%add3A_19, %dma_start3A_52] : memref<10000x128xf32, #tpu.memory_space<vmem_shared>> -> memref<156x128xf32, #tpu.memory_space<vmem_shared>>
      tpu.enqueue_dma source(%arg12 : memref<156x128xf32, #tpu.memory_space<vmem>>) target(%dma_start3A_53 : memref<156x128xf32, #tpu.memory_space<vmem_shared>>) target_semaphore(%run_scoped3A : memref<!tpu.dma_semaphore, #tpu.memory_space<semaphore_mem>>)
      %dma_wait3A_54 = arith.constant 0 : i32
      %dma_wait3A_55 = tpu.memref_slice %arg13[%add3A_19, %dma_wait3A_54] : memref<10000x128xf32, #tpu.memory_space<vmem_shared>> -> memref<156x128xf32, #tpu.memory_space<vmem_shared>>
      %dma_wait3A_56 = arith.constant 0 : i32
      %dma_wait3A_57 = tpu.memref_slice %arg13[%add3A_19, %dma_wait3A_56] : memref<10000x128xf32, #tpu.memory_space<vmem_shared>> -> memref<156x128xf32, #tpu.memory_space<vmem_shared>>
      tpu.wait_dma2 semaphore(%run_scoped3A : memref<!tpu.dma_semaphore, #tpu.memory_space<semaphore_mem>>) src(%arg12 : memref<156x128xf32, #tpu.memory_space<vmem>>) dst(%dma_wait3A_57 : memref<156x128xf32, #tpu.memory_space<vmem_shared>>)
      tpu.yield
    }) : () -> ()
    %eq3A = arith.constant 15 : i32
    %eq3A_20 = arith.cmpi eq, %arg1, %eq3A : i32
    %convert_element_type3A = arith.extui %eq3A_20 : i1 to i32
    %cond3A = arith.constant 0 : i32
    %cond3A_21 = arith.cmpi ne, %convert_element_type3A, %cond3A : i32
    scf.if %cond3A_21 {
      "tpu.region"() ({
        %run_scoped3A = tpu.sem_alloc : memref<!tpu.dma_semaphore, #tpu.memory_space<semaphore_mem>>
        %dma_start3A_50 = arith.constant 0 : i32
        %dma_start3A_51 = arith.constant 0 : i32
        %dma_start3A_52 = tpu.memref_slice %arg12[%dma_start3A_50, %dma_start3A_51] : memref<156x128xf32, #tpu.memory_space<vmem>> -> memref<16x128xf32, #tpu.memory_space<vmem>>
        %dma_start3A_53 = arith.constant 9984 : i32
        %dma_start3A_54 = arith.constant 0 : i32
        %dma_start3A_55 = tpu.memref_slice %arg13[%dma_start3A_53, %dma_start3A_54] : memref<10000x128xf32, #tpu.memory_space<vmem_shared>> -> memref<16x128xf32, #tpu.memory_space<vmem_shared>>
        %dma_start3A_56 = arith.constant 9984 : i32
        %dma_start3A_57 = arith.constant 0 : i32
        %dma_start3A_58 = tpu.memref_slice %arg13[%dma_start3A_56, %dma_start3A_57] : memref<10000x128xf32, #tpu.memory_space<vmem_shared>> -> memref<16x128xf32, #tpu.memory_space<vmem_shared>>
        %dma_start3A_59 = arith.constant 0 : i32
        %dma_start3A_60 = arith.constant 0 : i32
        %dma_start3A_61 = tpu.memref_slice %arg12[%dma_start3A_59, %dma_start3A_60] : memref<156x128xf32, #tpu.memory_space<vmem>> -> memref<16x128xf32, #tpu.memory_space<vmem>>
        tpu.enqueue_dma source(%dma_start3A_61 : memref<16x128xf32, #tpu.memory_space<vmem>>) target(%dma_start3A_58 : memref<16x128xf32, #tpu.memory_space<vmem_shared>>) target_semaphore(%run_scoped3A : memref<!tpu.dma_semaphore, #tpu.memory_space<semaphore_mem>>)
        %dma_wait3A_62 = arith.constant 0 : i32
        %dma_wait3A_63 = arith.constant 0 : i32
        %dma_wait3A_64 = tpu.memref_slice %arg12[%dma_wait3A_62, %dma_wait3A_63] : memref<156x128xf32, #tpu.memory_space<vmem>> -> memref<16x128xf32, #tpu.memory_space<vmem>>
        %dma_wait3A_65 = arith.constant 9984 : i32
        %dma_wait3A_66 = arith.constant 0 : i32
        %dma_wait3A_67 = tpu.memref_slice %arg13[%dma_wait3A_65, %dma_wait3A_66] : memref<10000x128xf32, #tpu.memory_space<vmem_shared>> -> memref<16x128xf32, #tpu.memory_space<vmem_shared>>
        %dma_wait3A_68 = arith.constant 9984 : i32
        %dma_wait3A_69 = arith.constant 0 : i32
        %dma_wait3A_70 = tpu.memref_slice %arg13[%dma_wait3A_68, %dma_wait3A_69] : memref<10000x128xf32, #tpu.memory_space<vmem_shared>> -> memref<16x128xf32, #tpu.memory_space<vmem_shared>>
        %dma_wait3A_71 = arith.constant 0 : i32
        %dma_wait3A_72 = arith.constant 0 : i32
        %dma_wait3A_73 = tpu.memref_slice %arg12[%dma_wait3A_71, %dma_wait3A_72] : memref<156x128xf32, #tpu.memory_space<vmem>> -> memref<16x128xf32, #tpu.memory_space<vmem>>
        tpu.wait_dma2 semaphore(%run_scoped3A : memref<!tpu.dma_semaphore, #tpu.memory_space<semaphore_mem>>) src(%dma_wait3A_73 : memref<16x128xf32, #tpu.memory_space<vmem>>) dst(%dma_wait3A_70 : memref<16x128xf32, #tpu.memory_space<vmem_shared>>)
        tpu.yield
      }) : () -> ()
    } else {
    }
    %add3A_22 = arith.constant 0 : i32
    %add3A_23 = arith.addi %add3A, %add3A_22 : i32
    %multiple_of3A_24 = tpu.assume_multiple %add3A_23, 8 : i32
    "tpu.region"() ({
      %run_scoped3A = tpu.sem_alloc : memref<!tpu.dma_semaphore, #tpu.memory_space<semaphore_mem>>
      %dma_start3A_50 = tpu.memref_slice %arg3[%multiple_of3A_24] : memref<320000xi32, #tpu.memory_space<hbm>> -> memref<80xi32, #tpu.memory_space<hbm>>
      %dma_start3A_51 = tpu.memref_slice %arg3[%multiple_of3A_24] : memref<320000xi32, #tpu.memory_space<hbm>> -> memref<80xi32, #tpu.memory_space<hbm>>
      tpu.enqueue_dma source(%dma_start3A_51 : memref<80xi32, #tpu.memory_space<hbm>>) target(%arg6 : memref<80xi32, #tpu.memory_space<vmem>>) target_semaphore(%run_scoped3A : memref<!tpu.dma_semaphore, #tpu.memory_space<semaphore_mem>>)
      %dma_wait3A_52 = tpu.memref_slice %arg3[%multiple_of3A_24] : memref<320000xi32, #tpu.memory_space<hbm>> -> memref<80xi32, #tpu.memory_space<hbm>>
      %dma_wait3A_53 = tpu.memref_slice %arg3[%multiple_of3A_24] : memref<320000xi32, #tpu.memory_space<hbm>> -> memref<80xi32, #tpu.memory_space<hbm>>
      tpu.wait_dma2 semaphore(%run_scoped3A : memref<!tpu.dma_semaphore, #tpu.memory_space<semaphore_mem>>) src(%dma_wait3A_53 : memref<80xi32, #tpu.memory_space<hbm>>) dst(%arg6 : memref<80xi32, #tpu.memory_space<vmem>>)
      tpu.yield
    }) : () -> ()
    %add3A_25 = arith.constant 0 : i32
    %add3A_26 = arith.addi %mul3A_4, %add3A_25 : i32
    %multiple_of3A_27 = tpu.assume_multiple %add3A_26, 8 : i32
    "tpu.region"() ({
      %run_scoped3A = tpu.sem_alloc : memref<!tpu.dma_semaphore, #tpu.memory_space<semaphore_mem>>
      %dma_start3A_50 = tpu.memref_slice %arg4[%multiple_of3A_27] : memref<160000xi32, #tpu.memory_space<hbm>> -> memref<80xi32, #tpu.memory_space<hbm>>
      %dma_start3A_51 = tpu.memref_slice %arg4[%multiple_of3A_27] : memref<160000xi32, #tpu.memory_space<hbm>> -> memref<80xi32, #tpu.memory_space<hbm>>
      tpu.enqueue_dma source(%dma_start3A_51 : memref<80xi32, #tpu.memory_space<hbm>>) target(%arg8 : memref<80xi32, #tpu.memory_space<vmem>>) target_semaphore(%run_scoped3A : memref<!tpu.dma_semaphore, #tpu.memory_space<semaphore_mem>>)
      %dma_wait3A_52 = tpu.memref_slice %arg4[%multiple_of3A_27] : memref<160000xi32, #tpu.memory_space<hbm>> -> memref<80xi32, #tpu.memory_space<hbm>>
      %dma_wait3A_53 = tpu.memref_slice %arg4[%multiple_of3A_27] : memref<160000xi32, #tpu.memory_space<hbm>> -> memref<80xi32, #tpu.memory_space<hbm>>
      tpu.wait_dma2 semaphore(%run_scoped3A : memref<!tpu.dma_semaphore, #tpu.memory_space<semaphore_mem>>) src(%dma_wait3A_53 : memref<80xi32, #tpu.memory_space<hbm>>) dst(%arg8 : memref<80xi32, #tpu.memory_space<vmem>>)
      tpu.yield
    }) : () -> ()
    %dma_start3A = arith.constant 0 : i32
    %dma_start3A_28 = arith.constant 0 : i32
    %dma_start3A_29 = tpu.memref_slice %arg2[%dma_start3A, %dma_start3A_28] : memref<20000x128xf32, #tpu.memory_space<hbm>> -> memref<20000x128xf32, #tpu.memory_space<hbm>>
    tpu.enqueue_indirect_dma source(%dma_start3A_29 : memref<20000x128xf32, #tpu.memory_space<hbm>>) target(%arg10 : memref<80x128xf32, #tpu.memory_space<vmem>>) offsets(%arg6 : memref<80xi32, #tpu.memory_space<vmem>>) semaphore(%arg14 : memref<!tpu.dma_semaphore, #tpu.memory_space<semaphore_mem>>)
    %barrier3A = arith.constant 0 : index
    tpu.barrier barrier_id(%barrier3A)
    %scan3A_30 = arith.constant 0 : i32
    %scan3A_31 = arith.constant 0 : i32
    %scan3A_32 = arith.constant 62 : i32
    %scan3A_33 = arith.addi %scan3A_31, %scan3A_32 : i32
    %scan3A_34 = arith.constant 1 : i32
    scf.for %scan3A_50 = %scan3A_31 to %scan3A_33 step %scan3A_34  : i32 {
      %mul3A_51 = arith.constant 2 : i32
      %mul3A_52 = arith.muli %mul3A_51, %scan3A_50 : i32
      %add3A_53 = arith.constant 1 : i32
      %add3A_54 = arith.addi %mul3A_52, %add3A_53 : i32
      %mul3A_55 = arith.constant 80 : i32
      %mul3A_56 = arith.muli %add3A_54, %mul3A_55 : i32
      %add3A_57 = arith.addi %add3A, %mul3A_56 : i32
      %multiple_of3A_58 = tpu.assume_multiple %add3A_57, 8 : i32
      "tpu.region"() ({
        %run_scoped3A = tpu.sem_alloc : memref<!tpu.dma_semaphore, #tpu.memory_space<semaphore_mem>>
        %dma_start3A_85 = tpu.memref_slice %arg3[%multiple_of3A_58] : memref<320000xi32, #tpu.memory_space<hbm>> -> memref<80xi32, #tpu.memory_space<hbm>>
        %dma_start3A_86 = tpu.memref_slice %arg3[%multiple_of3A_58] : memref<320000xi32, #tpu.memory_space<hbm>> -> memref<80xi32, #tpu.memory_space<hbm>>
        tpu.enqueue_dma source(%dma_start3A_86 : memref<80xi32, #tpu.memory_space<hbm>>) target(%arg7 : memref<80xi32, #tpu.memory_space<vmem>>) target_semaphore(%run_scoped3A : memref<!tpu.dma_semaphore, #tpu.memory_space<semaphore_mem>>)
        %dma_wait3A_87 = tpu.memref_slice %arg3[%multiple_of3A_58] : memref<320000xi32, #tpu.memory_space<hbm>> -> memref<80xi32, #tpu.memory_space<hbm>>
        %dma_wait3A_88 = tpu.memref_slice %arg3[%multiple_of3A_58] : memref<320000xi32, #tpu.memory_space<hbm>> -> memref<80xi32, #tpu.memory_space<hbm>>
        tpu.wait_dma2 semaphore(%run_scoped3A : memref<!tpu.dma_semaphore, #tpu.memory_space<semaphore_mem>>) src(%dma_wait3A_88 : memref<80xi32, #tpu.memory_space<hbm>>) dst(%arg7 : memref<80xi32, #tpu.memory_space<vmem>>)
        tpu.yield
      }) : () -> ()
      %mul3A_59 = arith.constant 80 : i32
      %mul3A_60 = arith.muli %add3A_54, %mul3A_59 : i32
      %add3A_61 = arith.addi %mul3A_4, %mul3A_60 : i32
      %multiple_of3A_62 = tpu.assume_multiple %add3A_61, 8 : i32
      "tpu.region"() ({
        %run_scoped3A = tpu.sem_alloc : memref<!tpu.dma_semaphore, #tpu.memory_space<semaphore_mem>>
        %dma_start3A_85 = tpu.memref_slice %arg4[%multiple_of3A_62] : memref<160000xi32, #tpu.memory_space<hbm>> -> memref<80xi32, #tpu.memory_space<hbm>>
        %dma_start3A_86 = tpu.memref_slice %arg4[%multiple_of3A_62] : memref<160000xi32, #tpu.memory_space<hbm>> -> memref<80xi32, #tpu.memory_space<hbm>>
        tpu.enqueue_dma source(%dma_start3A_86 : memref<80xi32, #tpu.memory_space<hbm>>) target(%arg9 : memref<80xi32, #tpu.memory_space<vmem>>) target_semaphore(%run_scoped3A : memref<!tpu.dma_semaphore, #tpu.memory_space<semaphore_mem>>)
        %dma_wait3A_87 = tpu.memref_slice %arg4[%multiple_of3A_62] : memref<160000xi32, #tpu.memory_space<hbm>> -> memref<80xi32, #tpu.memory_space<hbm>>
        %dma_wait3A_88 = tpu.memref_slice %arg4[%multiple_of3A_62] : memref<160000xi32, #tpu.memory_space<hbm>> -> memref<80xi32, #tpu.memory_space<hbm>>
        tpu.wait_dma2 semaphore(%run_scoped3A : memref<!tpu.dma_semaphore, #tpu.memory_space<semaphore_mem>>) src(%dma_wait3A_88 : memref<80xi32, #tpu.memory_space<hbm>>) dst(%arg9 : memref<80xi32, #tpu.memory_space<vmem>>)
        tpu.yield
      }) : () -> ()
      %dma_wait3A_63 = arith.constant 0 : i32
      %dma_wait3A_64 = arith.constant 0 : i32
      %dma_wait3A_65 = tpu.memref_slice %arg2[%dma_wait3A_63, %dma_wait3A_64] : memref<20000x128xf32, #tpu.memory_space<hbm>> -> memref<20000x128xf32, #tpu.memory_space<hbm>>
      tpu.wait_indirect_dma semaphore(%arg14 : memref<!tpu.dma_semaphore, #tpu.memory_space<semaphore_mem>>) src(%dma_wait3A_65 : memref<20000x128xf32, #tpu.memory_space<hbm>>) dst(%arg10 : memref<80x128xf32, #tpu.memory_space<vmem>>)
      %dma_start3A_66 = arith.constant 0 : i32
      %dma_start3A_67 = arith.constant 0 : i32
      %dma_start3A_68 = tpu.memref_slice %arg2[%dma_start3A_66, %dma_start3A_67] : memref<20000x128xf32, #tpu.memory_space<hbm>> -> memref<20000x128xf32, #tpu.memory_space<hbm>>
      tpu.enqueue_indirect_dma source(%dma_start3A_68 : memref<20000x128xf32, #tpu.memory_space<hbm>>) target(%arg11 : memref<80x128xf32, #tpu.memory_space<vmem>>) offsets(%arg7 : memref<80xi32, #tpu.memory_space<vmem>>) semaphore(%arg14 : memref<!tpu.dma_semaphore, #tpu.memory_space<semaphore_mem>>)
      "tpu.region"() ({
        %run_scoped3A = tpu.sem_alloc : memref<!tpu.dma_semaphore, #tpu.memory_space<semaphore_mem>>
        %dma_start3A_85 = arith.constant 0 : i32
        %dma_start3A_86 = arith.constant 0 : i32
        %dma_start3A_87 = tpu.memref_slice %arg13[%dma_start3A_85, %dma_start3A_86] : memref<10000x128xf32, #tpu.memory_space<vmem_shared>> -> memref<10000x128xf32, #tpu.memory_space<vmem_shared>>
        tpu.enqueue_indirect_dma source(%arg10 : memref<80x128xf32, #tpu.memory_space<vmem>>) target(%dma_start3A_87 : memref<10000x128xf32, #tpu.memory_space<vmem_shared>>) offsets(%arg8 : memref<80xi32, #tpu.memory_space<vmem>>) semaphore(%run_scoped3A : memref<!tpu.dma_semaphore, #tpu.memory_space<semaphore_mem>>) {add = true}
        %dma_wait3A_88 = arith.constant 0 : i32
        %dma_wait3A_89 = arith.constant 0 : i32
        %dma_wait3A_90 = tpu.memref_slice %arg13[%dma_wait3A_88, %dma_wait3A_89] : memref<10000x128xf32, #tpu.memory_space<vmem_shared>> -> memref<10000x128xf32, #tpu.memory_space<vmem_shared>>
        tpu.wait_indirect_dma semaphore(%run_scoped3A : memref<!tpu.dma_semaphore, #tpu.memory_space<semaphore_mem>>) src(%arg10 : memref<80x128xf32, #tpu.memory_space<vmem>>) dst(%dma_wait3A_90 : memref<10000x128xf32, #tpu.memory_space<vmem_shared>>)
        tpu.yield
      }) : () -> ()
      %add3A_69 = arith.constant 2 : i32
      %add3A_70 = arith.addi %mul3A_52, %add3A_69 : i32
      %mul3A_71 = arith.constant 80 : i32
      %mul3A_72 = arith.muli %add3A_70, %mul3A_71 : i32
      %add3A_73 = arith.addi %add3A, %mul3A_72 : i32
      %multiple_of3A_74 = tpu.assume_multiple %add3A_73, 8 : i32
      "tpu.region"() ({
        %run_scoped3A = tpu.sem_alloc : memref<!tpu.dma_semaphore, #tpu.memory_space<semaphore_mem>>
        %dma_start3A_85 = tpu.memref_slice %arg3[%multiple_of3A_74] : memref<320000xi32, #tpu.memory_space<hbm>> -> memref<80xi32, #tpu.memory_space<hbm>>
        %dma_start3A_86 = tpu.memref_slice %arg3[%multiple_of3A_74] : memref<320000xi32, #tpu.memory_space<hbm>> -> memref<80xi32, #tpu.memory_space<hbm>>
        tpu.enqueue_dma source(%dma_start3A_86 : memref<80xi32, #tpu.memory_space<hbm>>) target(%arg6 : memref<80xi32, #tpu.memory_space<vmem>>) target_semaphore(%run_scoped3A : memref<!tpu.dma_semaphore, #tpu.memory_space<semaphore_mem>>)
        %dma_wait3A_87 = tpu.memref_slice %arg3[%multiple_of3A_74] : memref<320000xi32, #tpu.memory_space<hbm>> -> memref<80xi32, #tpu.memory_space<hbm>>
        %dma_wait3A_88 = tpu.memref_slice %arg3[%multiple_of3A_74] : memref<320000xi32, #tpu.memory_space<hbm>> -> memref<80xi32, #tpu.memory_space<hbm>>
        tpu.wait_dma2 semaphore(%run_scoped3A : memref<!tpu.dma_semaphore, #tpu.memory_space<semaphore_mem>>) src(%dma_wait3A_88 : memref<80xi32, #tpu.memory_space<hbm>>) dst(%arg6 : memref<80xi32, #tpu.memory_space<vmem>>)
        tpu.yield
      }) : () -> ()
      %mul3A_75 = arith.constant 80 : i32
      %mul3A_76 = arith.muli %add3A_70, %mul3A_75 : i32
      %add3A_77 = arith.addi %mul3A_4, %mul3A_76 : i32
      %multiple_of3A_78 = tpu.assume_multiple %add3A_77, 8 : i32
      "tpu.region"() ({
        %run_scoped3A = tpu.sem_alloc : memref<!tpu.dma_semaphore, #tpu.memory_space<semaphore_mem>>
        %dma_start3A_85 = tpu.memref_slice %arg4[%multiple_of3A_78] : memref<160000xi32, #tpu.memory_space<hbm>> -> memref<80xi32, #tpu.memory_space<hbm>>
        %dma_start3A_86 = tpu.memref_slice %arg4[%multiple_of3A_78] : memref<160000xi32, #tpu.memory_space<hbm>> -> memref<80xi32, #tpu.memory_space<hbm>>
        tpu.enqueue_dma source(%dma_start3A_86 : memref<80xi32, #tpu.memory_space<hbm>>) target(%arg8 : memref<80xi32, #tpu.memory_space<vmem>>) target_semaphore(%run_scoped3A : memref<!tpu.dma_semaphore, #tpu.memory_space<semaphore_mem>>)
        %dma_wait3A_87 = tpu.memref_slice %arg4[%multiple_of3A_78] : memref<160000xi32, #tpu.memory_space<hbm>> -> memref<80xi32, #tpu.memory_space<hbm>>
        %dma_wait3A_88 = tpu.memref_slice %arg4[%multiple_of3A_78] : memref<160000xi32, #tpu.memory_space<hbm>> -> memref<80xi32, #tpu.memory_space<hbm>>
        tpu.wait_dma2 semaphore(%run_scoped3A : memref<!tpu.dma_semaphore, #tpu.memory_space<semaphore_mem>>) src(%dma_wait3A_88 : memref<80xi32, #tpu.memory_space<hbm>>) dst(%arg8 : memref<80xi32, #tpu.memory_space<vmem>>)
        tpu.yield
      }) : () -> ()
      %dma_wait3A_79 = arith.constant 0 : i32
      %dma_wait3A_80 = arith.constant 0 : i32
      %dma_wait3A_81 = tpu.memref_slice %arg2[%dma_wait3A_79, %dma_wait3A_80] : memref<20000x128xf32, #tpu.memory_space<hbm>> -> memref<20000x128xf32, #tpu.memory_space<hbm>>
      tpu.wait_indirect_dma semaphore(%arg14 : memref<!tpu.dma_semaphore, #tpu.memory_space<semaphore_mem>>) src(%dma_wait3A_81 : memref<20000x128xf32, #tpu.memory_space<hbm>>) dst(%arg11 : memref<80x128xf32, #tpu.memory_space<vmem>>)
      %dma_start3A_82 = arith.constant 0 : i32
      %dma_start3A_83 = arith.constant 0 : i32
      %dma_start3A_84 = tpu.memref_slice %arg2[%dma_start3A_82, %dma_start3A_83] : memref<20000x128xf32, #tpu.memory_space<hbm>> -> memref<20000x128xf32, #tpu.memory_space<hbm>>
      tpu.enqueue_indirect_dma source(%dma_start3A_84 : memref<20000x128xf32, #tpu.memory_space<hbm>>) target(%arg10 : memref<80x128xf32, #tpu.memory_space<vmem>>) offsets(%arg6 : memref<80xi32, #tpu.memory_space<vmem>>) semaphore(%arg14 : memref<!tpu.dma_semaphore, #tpu.memory_space<semaphore_mem>>)
      "tpu.region"() ({
        %run_scoped3A = tpu.sem_alloc : memref<!tpu.dma_semaphore, #tpu.memory_space<semaphore_mem>>
        %dma_start3A_85 = arith.constant 0 : i32
        %dma_start3A_86 = arith.constant 0 : i32
        %dma_start3A_87 = tpu.memref_slice %arg13[%dma_start3A_85, %dma_start3A_86] : memref<10000x128xf32, #tpu.memory_space<vmem_shared>> -> memref<10000x128xf32, #tpu.memory_space<vmem_shared>>
        tpu.enqueue_indirect_dma source(%arg11 : memref<80x128xf32, #tpu.memory_space<vmem>>) target(%dma_start3A_87 : memref<10000x128xf32, #tpu.memory_space<vmem_shared>>) offsets(%arg9 : memref<80xi32, #tpu.memory_space<vmem>>) semaphore(%run_scoped3A : memref<!tpu.dma_semaphore, #tpu.memory_space<semaphore_mem>>) {add = true}
        %dma_wait3A_88 = arith.constant 0 : i32
        %dma_wait3A_89 = arith.constant 0 : i32
        %dma_wait3A_90 = tpu.memref_slice %arg13[%dma_wait3A_88, %dma_wait3A_89] : memref<10000x128xf32, #tpu.memory_space<vmem_shared>> -> memref<10000x128xf32, #tpu.memory_space<vmem_shared>>
        tpu.wait_indirect_dma semaphore(%run_scoped3A : memref<!tpu.dma_semaphore, #tpu.memory_space<semaphore_mem>>) src(%arg11 : memref<80x128xf32, #tpu.memory_space<vmem>>) dst(%dma_wait3A_90 : memref<10000x128xf32, #tpu.memory_space<vmem_shared>>)
        tpu.yield
      }) : () -> ()
    }
    %scan3A_35 = arith.constant 62 : i32
    %dma_wait3A = arith.constant 0 : i32
    %dma_wait3A_36 = arith.constant 0 : i32
    %dma_wait3A_37 = tpu.memref_slice %arg2[%dma_wait3A, %dma_wait3A_36] : memref<20000x128xf32, #tpu.memory_space<hbm>> -> memref<20000x128xf32, #tpu.memory_space<hbm>>
    tpu.wait_indirect_dma semaphore(%arg14 : memref<!tpu.dma_semaphore, #tpu.memory_space<semaphore_mem>>) src(%dma_wait3A_37 : memref<20000x128xf32, #tpu.memory_space<hbm>>) dst(%arg10 : memref<80x128xf32, #tpu.memory_space<vmem>>)
    "tpu.region"() ({
      %run_scoped3A = tpu.sem_alloc : memref<!tpu.dma_semaphore, #tpu.memory_space<semaphore_mem>>
      %dma_start3A_50 = arith.constant 0 : i32
      %dma_start3A_51 = arith.constant 0 : i32
      %dma_start3A_52 = tpu.memref_slice %arg13[%dma_start3A_50, %dma_start3A_51] : memref<10000x128xf32, #tpu.memory_space<vmem_shared>> -> memref<10000x128xf32, #tpu.memory_space<vmem_shared>>
      tpu.enqueue_indirect_dma source(%arg10 : memref<80x128xf32, #tpu.memory_space<vmem>>) target(%dma_start3A_52 : memref<10000x128xf32, #tpu.memory_space<vmem_shared>>) offsets(%arg8 : memref<80xi32, #tpu.memory_space<vmem>>) semaphore(%run_scoped3A : memref<!tpu.dma_semaphore, #tpu.memory_space<semaphore_mem>>) {add = true}
      %dma_wait3A_53 = arith.constant 0 : i32
      %dma_wait3A_54 = arith.constant 0 : i32
      %dma_wait3A_55 = tpu.memref_slice %arg13[%dma_wait3A_53, %dma_wait3A_54] : memref<10000x128xf32, #tpu.memory_space<vmem_shared>> -> memref<10000x128xf32, #tpu.memory_space<vmem_shared>>
      tpu.wait_indirect_dma semaphore(%run_scoped3A : memref<!tpu.dma_semaphore, #tpu.memory_space<semaphore_mem>>) src(%arg10 : memref<80x128xf32, #tpu.memory_space<vmem>>) dst(%dma_wait3A_55 : memref<10000x128xf32, #tpu.memory_space<vmem_shared>>)
      tpu.yield
    }) : () -> ()
    %barrier3A_38 = arith.constant 0 : index
    tpu.barrier barrier_id(%barrier3A_38)
    %mul3A_39 = arith.constant 10000 : i32
    %mul3A_40 = arith.muli %arg0, %mul3A_39 : i32
    %mul3A_41 = arith.constant 624 : i32
    %mul3A_42 = arith.muli %arg1, %mul3A_41 : i32
    %add3A_43 = arith.addi %mul3A_40, %mul3A_42 : i32
    %multiple_of3A_44 = tpu.assume_multiple %add3A_43, 8 : i32
    "tpu.region"() ({
      %run_scoped3A = tpu.sem_alloc : memref<!tpu.dma_semaphore, #tpu.memory_space<semaphore_mem>>
      %dma_start3A_50 = arith.constant 0 : i32
      %dma_start3A_51 = tpu.memref_slice %arg5[%multiple_of3A_44, %dma_start3A_50] : memref<20000x128xf32, #tpu.memory_space<hbm>> -> memref<624x128xf32, #tpu.memory_space<hbm>>
      %dma_start3A_52 = arith.constant 0 : i32
      %dma_start3A_53 = tpu.memref_slice %arg13[%multiple_of3A, %dma_start3A_52] : memref<10000x128xf32, #tpu.memory_space<vmem_shared>> -> memref<624x128xf32, #tpu.memory_space<vmem_shared>>
      tpu.enqueue_dma source(%dma_start3A_53 : memref<624x128xf32, #tpu.memory_space<vmem_shared>>) target(%dma_start3A_51 : memref<624x128xf32, #tpu.memory_space<hbm>>) target_semaphore(%run_scoped3A : memref<!tpu.dma_semaphore, #tpu.memory_space<semaphore_mem>>)
      %dma_wait3A_54 = arith.constant 0 : i32
      %dma_wait3A_55 = tpu.memref_slice %arg5[%multiple_of3A_44, %dma_wait3A_54] : memref<20000x128xf32, #tpu.memory_space<hbm>> -> memref<624x128xf32, #tpu.memory_space<hbm>>
      %dma_wait3A_56 = arith.constant 0 : i32
      %dma_wait3A_57 = tpu.memref_slice %arg13[%multiple_of3A, %dma_wait3A_56] : memref<10000x128xf32, #tpu.memory_space<vmem_shared>> -> memref<624x128xf32, #tpu.memory_space<vmem_shared>>
      tpu.wait_dma2 semaphore(%run_scoped3A : memref<!tpu.dma_semaphore, #tpu.memory_space<semaphore_mem>>) src(%dma_wait3A_57 : memref<624x128xf32, #tpu.memory_space<vmem_shared>>) dst(%dma_wait3A_55 : memref<624x128xf32, #tpu.memory_space<hbm>>)
      tpu.yield
    }) : () -> ()
    %eq3A_45 = arith.constant 15 : i32
    %eq3A_46 = arith.cmpi eq, %arg1, %eq3A_45 : i32
    %convert_element_type3A_47 = arith.extui %eq3A_46 : i1 to i32
    %cond3A_48 = arith.constant 0 : i32
    %cond3A_49 = arith.cmpi ne, %convert_element_type3A_47, %cond3A_48 : i32
    scf.if %cond3A_49 {
      %mul3A_50 = arith.constant 10000 : i32
      %mul3A_51 = arith.muli %arg0, %mul3A_50 : i32
      %add3A_52 = arith.constant 10000 : i32
      %add3A_53 = arith.addi %mul3A_51, %add3A_52 : i32
      %sub3A = arith.constant 16 : i32
      %sub3A_54 = arith.subi %add3A_53, %sub3A : i32
      %multiple_of3A_55 = tpu.assume_multiple %sub3A_54, 8 : i32
      "tpu.region"() ({
        %run_scoped3A = tpu.sem_alloc : memref<!tpu.dma_semaphore, #tpu.memory_space<semaphore_mem>>
        %dma_start3A_56 = arith.constant 0 : i32
        %dma_start3A_57 = tpu.memref_slice %arg5[%multiple_of3A_55, %dma_start3A_56] : memref<20000x128xf32, #tpu.memory_space<hbm>> -> memref<16x128xf32, #tpu.memory_space<hbm>>
        %dma_start3A_58 = arith.constant 9984 : i32
        %dma_start3A_59 = arith.constant 0 : i32
        %dma_start3A_60 = tpu.memref_slice %arg13[%dma_start3A_58, %dma_start3A_59] : memref<10000x128xf32, #tpu.memory_space<vmem_shared>> -> memref<16x128xf32, #tpu.memory_space<vmem_shared>>
        tpu.enqueue_dma source(%dma_start3A_60 : memref<16x128xf32, #tpu.memory_space<vmem_shared>>) target(%dma_start3A_57 : memref<16x128xf32, #tpu.memory_space<hbm>>) target_semaphore(%run_scoped3A : memref<!tpu.dma_semaphore, #tpu.memory_space<semaphore_mem>>)
        %dma_wait3A_61 = arith.constant 0 : i32
        %dma_wait3A_62 = tpu.memref_slice %arg5[%multiple_of3A_55, %dma_wait3A_61] : memref<20000x128xf32, #tpu.memory_space<hbm>> -> memref<16x128xf32, #tpu.memory_space<hbm>>
        %dma_wait3A_63 = arith.constant 9984 : i32
        %dma_wait3A_64 = arith.constant 0 : i32
        %dma_wait3A_65 = tpu.memref_slice %arg13[%dma_wait3A_63, %dma_wait3A_64] : memref<10000x128xf32, #tpu.memory_space<vmem_shared>> -> memref<16x128xf32, #tpu.memory_space<vmem_shared>>
        tpu.wait_dma2 semaphore(%run_scoped3A : memref<!tpu.dma_semaphore, #tpu.memory_space<semaphore_mem>>) src(%dma_wait3A_65 : memref<16x128xf32, #tpu.memory_space<vmem_shared>>) dst(%dma_wait3A_62 : memref<16x128xf32, #tpu.memory_space<hbm>>)
        tpu.yield
      }) : () -> ()
    } else {
    }
    return
  }
}

#map = affine_map<(d0, d1) -> (0, 0)>
module attributes {stable_mosaic.version = 14 : i64} {
  func.func @_sc_degree(%arg0: i32, %arg1: i32, %arg2: memref<1280x125xi32, #tpu.memory_space<hbm>>, %arg3: memref<20000x16xf32, #tpu.memory_space<hbm>>, %arg4: memref<80x125xi32, #tpu.memory_space<vmem>>, %arg5: memref<125x16xf32, #tpu.memory_space<vmem>>, %arg6: memref<156x16xf32, #tpu.memory_space<vmem>>, %arg7: memref<10000x16xf32, #tpu.memory_space<vmem_shared>>) attributes {dimension_semantics = [#tpu.dimension_semantics<core_parallel>, #tpu.dimension_semantics<subcore_parallel>], iteration_bounds = array<i64: 2, 16>, scalar_prefetch = 0 : i64, scratch_operands = 4 : i64, tpu.core_type = #tpu.core_type<sc_vector_subcore>, window_params = [{transform_indices = #map}, {transform_indices = #map}]} {
    %mul3A = arith.constant 80 : i32
    %mul3A_0 = arith.muli %arg1, %mul3A : i32
    %multiple_of3A = tpu.assume_multiple %mul3A_0, 8 : i32
    "tpu.region"() ({
      %run_scoped3A = tpu.sem_alloc : memref<!tpu.dma_semaphore, #tpu.memory_space<semaphore_mem>>
      %dma_start3A = arith.constant 0 : i32
      %dma_start3A_42 = tpu.memref_slice %arg2[%multiple_of3A, %dma_start3A] : memref<1280x125xi32, #tpu.memory_space<hbm>> -> memref<80x125xi32, #tpu.memory_space<hbm>>
      %dma_start3A_43 = arith.constant 0 : i32
      %dma_start3A_44 = tpu.memref_slice %arg2[%multiple_of3A, %dma_start3A_43] : memref<1280x125xi32, #tpu.memory_space<hbm>> -> memref<80x125xi32, #tpu.memory_space<hbm>>
      tpu.enqueue_dma source(%dma_start3A_44 : memref<80x125xi32, #tpu.memory_space<hbm>>) target(%arg4 : memref<80x125xi32, #tpu.memory_space<vmem>>) target_semaphore(%run_scoped3A : memref<!tpu.dma_semaphore, #tpu.memory_space<semaphore_mem>>)
      %dma_wait3A = arith.constant 0 : i32
      %dma_wait3A_45 = tpu.memref_slice %arg2[%multiple_of3A, %dma_wait3A] : memref<1280x125xi32, #tpu.memory_space<hbm>> -> memref<80x125xi32, #tpu.memory_space<hbm>>
      %dma_wait3A_46 = arith.constant 0 : i32
      %dma_wait3A_47 = tpu.memref_slice %arg2[%multiple_of3A, %dma_wait3A_46] : memref<1280x125xi32, #tpu.memory_space<hbm>> -> memref<80x125xi32, #tpu.memory_space<hbm>>
      tpu.wait_dma2 semaphore(%run_scoped3A : memref<!tpu.dma_semaphore, #tpu.memory_space<semaphore_mem>>) src(%dma_wait3A_47 : memref<80x125xi32, #tpu.memory_space<hbm>>) dst(%arg4 : memref<80x125xi32, #tpu.memory_space<vmem>>)
      tpu.yield
    }) : () -> ()
    %scan3A = arith.constant 0 : i32
    %scan3A_1 = arith.constant 0 : i32
    %scan3A_2 = arith.constant 125 : i32
    %scan3A_3 = arith.addi %scan3A_1, %scan3A_2 : i32
    %scan3A_4 = arith.constant 1 : i32
    scf.for %scan3A_42 = %scan3A_1 to %scan3A_3 step %scan3A_4  : i32 {
      %broadcast_in_dim3A = arith.constant 1.000000e+00 : f32
      %broadcast_in_dim3A_43 = vector.broadcast %broadcast_in_dim3A : f32 to vector<16xf32>
      %swap3A = arith.index_cast %scan3A_42 : i32 to index
      %swap3A_44 = arith.constant 0 : index
      %swap3A_45 = tpu.vector_load %arg5[%swap3A, %swap3A_44] {strides = array<i32>} : memref<125x16xf32, #tpu.memory_space<vmem>>, vector<1x16xf32>,
      %swap3A_46 = vector.shape_cast %swap3A_45 : vector<1x16xf32> to vector<16xf32>
      %swap3A_47 = vector.shape_cast %broadcast_in_dim3A_43 : vector<16xf32> to vector<1x16xf32>
      tpu.vector_store %arg5[%swap3A, %swap3A_44], %swap3A_47 {strides = array<i32>} : memref<125x16xf32, #tpu.memory_space<vmem>>, vector<1x16xf32>,
    }
    %scan3A_5 = arith.constant 125 : i32
    %scan3A_6 = arith.constant 0 : i32
    %scan3A_7 = arith.constant 0 : i32
    %scan3A_8 = arith.constant 156 : i32
    %scan3A_9 = arith.addi %scan3A_7, %scan3A_8 : i32
    %scan3A_10 = arith.constant 1 : i32
    scf.for %scan3A_42 = %scan3A_7 to %scan3A_9 step %scan3A_10  : i32 {
      %broadcast_in_dim3A = arith.constant 0.000000e+00 : f32
      %broadcast_in_dim3A_43 = vector.broadcast %broadcast_in_dim3A : f32 to vector<16xf32>
      %swap3A = arith.index_cast %scan3A_42 : i32 to index
      %swap3A_44 = arith.constant 0 : index
      %swap3A_45 = tpu.vector_load %arg6[%swap3A, %swap3A_44] {strides = array<i32>} : memref<156x16xf32, #tpu.memory_space<vmem>>, vector<1x16xf32>,
      %swap3A_46 = vector.shape_cast %swap3A_45 : vector<1x16xf32> to vector<16xf32>
      %swap3A_47 = vector.shape_cast %broadcast_in_dim3A_43 : vector<16xf32> to vector<1x16xf32>
      tpu.vector_store %arg6[%swap3A, %swap3A_44], %swap3A_47 {strides = array<i32>} : memref<156x16xf32, #tpu.memory_space<vmem>>, vector<1x16xf32>,
    }
    %scan3A_11 = arith.constant 156 : i32
    %mul3A_12 = arith.constant 624 : i32
    %mul3A_13 = arith.muli %arg1, %mul3A_12 : i32
    %multiple_of3A_14 = tpu.assume_multiple %mul3A_13, 8 : i32
    %add3A = arith.constant 0 : i32
    %add3A_15 = arith.addi %multiple_of3A_14, %add3A : i32
    "tpu.region"() ({
      %run_scoped3A = tpu.sem_alloc : memref<!tpu.dma_semaphore, #tpu.memory_space<semaphore_mem>>
      %dma_start3A = arith.constant 0 : i32
      %dma_start3A_42 = tpu.memref_slice %arg7[%add3A_15, %dma_start3A] : memref<10000x16xf32, #tpu.memory_space<vmem_shared>> -> memref<156x16xf32, #tpu.memory_space<vmem_shared>>
      %dma_start3A_43 = arith.constant 0 : i32
      %dma_start3A_44 = tpu.memref_slice %arg7[%add3A_15, %dma_start3A_43] : memref<10000x16xf32, #tpu.memory_space<vmem_shared>> -> memref<156x16xf32, #tpu.memory_space<vmem_shared>>
      tpu.enqueue_dma source(%arg6 : memref<156x16xf32, #tpu.memory_space<vmem>>) target(%dma_start3A_44 : memref<156x16xf32, #tpu.memory_space<vmem_shared>>) target_semaphore(%run_scoped3A : memref<!tpu.dma_semaphore, #tpu.memory_space<semaphore_mem>>)
      %dma_wait3A = arith.constant 0 : i32
      %dma_wait3A_45 = tpu.memref_slice %arg7[%add3A_15, %dma_wait3A] : memref<10000x16xf32, #tpu.memory_space<vmem_shared>> -> memref<156x16xf32, #tpu.memory_space<vmem_shared>>
      %dma_wait3A_46 = arith.constant 0 : i32
      %dma_wait3A_47 = tpu.memref_slice %arg7[%add3A_15, %dma_wait3A_46] : memref<10000x16xf32, #tpu.memory_space<vmem_shared>> -> memref<156x16xf32, #tpu.memory_space<vmem_shared>>
      tpu.wait_dma2 semaphore(%run_scoped3A : memref<!tpu.dma_semaphore, #tpu.memory_space<semaphore_mem>>) src(%arg6 : memref<156x16xf32, #tpu.memory_space<vmem>>) dst(%dma_wait3A_47 : memref<156x16xf32, #tpu.memory_space<vmem_shared>>)
      tpu.yield
    }) : () -> ()
    %add3A_16 = arith.constant 156 : i32
    %add3A_17 = arith.addi %multiple_of3A_14, %add3A_16 : i32
    "tpu.region"() ({
      %run_scoped3A = tpu.sem_alloc : memref<!tpu.dma_semaphore, #tpu.memory_space<semaphore_mem>>
      %dma_start3A = arith.constant 0 : i32
      %dma_start3A_42 = tpu.memref_slice %arg7[%add3A_17, %dma_start3A] : memref<10000x16xf32, #tpu.memory_space<vmem_shared>> -> memref<156x16xf32, #tpu.memory_space<vmem_shared>>
      %dma_start3A_43 = arith.constant 0 : i32
      %dma_start3A_44 = tpu.memref_slice %arg7[%add3A_17, %dma_start3A_43] : memref<10000x16xf32, #tpu.memory_space<vmem_shared>> -> memref<156x16xf32, #tpu.memory_space<vmem_shared>>
      tpu.enqueue_dma source(%arg6 : memref<156x16xf32, #tpu.memory_space<vmem>>) target(%dma_start3A_44 : memref<156x16xf32, #tpu.memory_space<vmem_shared>>) target_semaphore(%run_scoped3A : memref<!tpu.dma_semaphore, #tpu.memory_space<semaphore_mem>>)
      %dma_wait3A = arith.constant 0 : i32
      %dma_wait3A_45 = tpu.memref_slice %arg7[%add3A_17, %dma_wait3A] : memref<10000x16xf32, #tpu.memory_space<vmem_shared>> -> memref<156x16xf32, #tpu.memory_space<vmem_shared>>
      %dma_wait3A_46 = arith.constant 0 : i32
      %dma_wait3A_47 = tpu.memref_slice %arg7[%add3A_17, %dma_wait3A_46] : memref<10000x16xf32, #tpu.memory_space<vmem_shared>> -> memref<156x16xf32, #tpu.memory_space<vmem_shared>>
      tpu.wait_dma2 semaphore(%run_scoped3A : memref<!tpu.dma_semaphore, #tpu.memory_space<semaphore_mem>>) src(%arg6 : memref<156x16xf32, #tpu.memory_space<vmem>>) dst(%dma_wait3A_47 : memref<156x16xf32, #tpu.memory_space<vmem_shared>>)
      tpu.yield
    }) : () -> ()
    %add3A_18 = arith.constant 312 : i32
    %add3A_19 = arith.addi %multiple_of3A_14, %add3A_18 : i32
    "tpu.region"() ({
      %run_scoped3A = tpu.sem_alloc : memref<!tpu.dma_semaphore, #tpu.memory_space<semaphore_mem>>
      %dma_start3A = arith.constant 0 : i32
      %dma_start3A_42 = tpu.memref_slice %arg7[%add3A_19, %dma_start3A] : memref<10000x16xf32, #tpu.memory_space<vmem_shared>> -> memref<156x16xf32, #tpu.memory_space<vmem_shared>>
      %dma_start3A_43 = arith.constant 0 : i32
      %dma_start3A_44 = tpu.memref_slice %arg7[%add3A_19, %dma_start3A_43] : memref<10000x16xf32, #tpu.memory_space<vmem_shared>> -> memref<156x16xf32, #tpu.memory_space<vmem_shared>>
      tpu.enqueue_dma source(%arg6 : memref<156x16xf32, #tpu.memory_space<vmem>>) target(%dma_start3A_44 : memref<156x16xf32, #tpu.memory_space<vmem_shared>>) target_semaphore(%run_scoped3A : memref<!tpu.dma_semaphore, #tpu.memory_space<semaphore_mem>>)
      %dma_wait3A = arith.constant 0 : i32
      %dma_wait3A_45 = tpu.memref_slice %arg7[%add3A_19, %dma_wait3A] : memref<10000x16xf32, #tpu.memory_space<vmem_shared>> -> memref<156x16xf32, #tpu.memory_space<vmem_shared>>
      %dma_wait3A_46 = arith.constant 0 : i32
      %dma_wait3A_47 = tpu.memref_slice %arg7[%add3A_19, %dma_wait3A_46] : memref<10000x16xf32, #tpu.memory_space<vmem_shared>> -> memref<156x16xf32, #tpu.memory_space<vmem_shared>>
      tpu.wait_dma2 semaphore(%run_scoped3A : memref<!tpu.dma_semaphore, #tpu.memory_space<semaphore_mem>>) src(%arg6 : memref<156x16xf32, #tpu.memory_space<vmem>>) dst(%dma_wait3A_47 : memref<156x16xf32, #tpu.memory_space<vmem_shared>>)
      tpu.yield
    }) : () -> ()
    %add3A_20 = arith.constant 468 : i32
    %add3A_21 = arith.addi %multiple_of3A_14, %add3A_20 : i32
    "tpu.region"() ({
      %run_scoped3A = tpu.sem_alloc : memref<!tpu.dma_semaphore, #tpu.memory_space<semaphore_mem>>
      %dma_start3A = arith.constant 0 : i32
      %dma_start3A_42 = tpu.memref_slice %arg7[%add3A_21, %dma_start3A] : memref<10000x16xf32, #tpu.memory_space<vmem_shared>> -> memref<156x16xf32, #tpu.memory_space<vmem_shared>>
      %dma_start3A_43 = arith.constant 0 : i32
      %dma_start3A_44 = tpu.memref_slice %arg7[%add3A_21, %dma_start3A_43] : memref<10000x16xf32, #tpu.memory_space<vmem_shared>> -> memref<156x16xf32, #tpu.memory_space<vmem_shared>>
      tpu.enqueue_dma source(%arg6 : memref<156x16xf32, #tpu.memory_space<vmem>>) target(%dma_start3A_44 : memref<156x16xf32, #tpu.memory_space<vmem_shared>>) target_semaphore(%run_scoped3A : memref<!tpu.dma_semaphore, #tpu.memory_space<semaphore_mem>>)
      %dma_wait3A = arith.constant 0 : i32
      %dma_wait3A_45 = tpu.memref_slice %arg7[%add3A_21, %dma_wait3A] : memref<10000x16xf32, #tpu.memory_space<vmem_shared>> -> memref<156x16xf32, #tpu.memory_space<vmem_shared>>
      %dma_wait3A_46 = arith.constant 0 : i32
      %dma_wait3A_47 = tpu.memref_slice %arg7[%add3A_21, %dma_wait3A_46] : memref<10000x16xf32, #tpu.memory_space<vmem_shared>> -> memref<156x16xf32, #tpu.memory_space<vmem_shared>>
      tpu.wait_dma2 semaphore(%run_scoped3A : memref<!tpu.dma_semaphore, #tpu.memory_space<semaphore_mem>>) src(%arg6 : memref<156x16xf32, #tpu.memory_space<vmem>>) dst(%dma_wait3A_47 : memref<156x16xf32, #tpu.memory_space<vmem_shared>>)
      tpu.yield
    }) : () -> ()
    %eq3A = arith.constant 15 : i32
    %eq3A_22 = arith.cmpi eq, %arg1, %eq3A : i32
    %convert_element_type3A = arith.extui %eq3A_22 : i1 to i32
    %cond3A = arith.constant 0 : i32
    %cond3A_23 = arith.cmpi ne, %convert_element_type3A, %cond3A : i32
    scf.if %cond3A_23 {
      "tpu.region"() ({
        %run_scoped3A = tpu.sem_alloc : memref<!tpu.dma_semaphore, #tpu.memory_space<semaphore_mem>>
        %dma_start3A = arith.constant 0 : i32
        %dma_start3A_42 = arith.constant 0 : i32
        %dma_start3A_43 = tpu.memref_slice %arg6[%dma_start3A, %dma_start3A_42] : memref<156x16xf32, #tpu.memory_space<vmem>> -> memref<16x16xf32, #tpu.memory_space<vmem>>
        %dma_start3A_44 = arith.constant 9984 : i32
        %dma_start3A_45 = arith.constant 0 : i32
        %dma_start3A_46 = tpu.memref_slice %arg7[%dma_start3A_44, %dma_start3A_45] : memref<10000x16xf32, #tpu.memory_space<vmem_shared>> -> memref<16x16xf32, #tpu.memory_space<vmem_shared>>
        %dma_start3A_47 = arith.constant 9984 : i32
        %dma_start3A_48 = arith.constant 0 : i32
        %dma_start3A_49 = tpu.memref_slice %arg7[%dma_start3A_47, %dma_start3A_48] : memref<10000x16xf32, #tpu.memory_space<vmem_shared>> -> memref<16x16xf32, #tpu.memory_space<vmem_shared>>
        %dma_start3A_50 = arith.constant 0 : i32
        %dma_start3A_51 = arith.constant 0 : i32
        %dma_start3A_52 = tpu.memref_slice %arg6[%dma_start3A_50, %dma_start3A_51] : memref<156x16xf32, #tpu.memory_space<vmem>> -> memref<16x16xf32, #tpu.memory_space<vmem>>
        tpu.enqueue_dma source(%dma_start3A_52 : memref<16x16xf32, #tpu.memory_space<vmem>>) target(%dma_start3A_49 : memref<16x16xf32, #tpu.memory_space<vmem_shared>>) target_semaphore(%run_scoped3A : memref<!tpu.dma_semaphore, #tpu.memory_space<semaphore_mem>>)
        %dma_wait3A = arith.constant 0 : i32
        %dma_wait3A_53 = arith.constant 0 : i32
        %dma_wait3A_54 = tpu.memref_slice %arg6[%dma_wait3A, %dma_wait3A_53] : memref<156x16xf32, #tpu.memory_space<vmem>> -> memref<16x16xf32, #tpu.memory_space<vmem>>
        %dma_wait3A_55 = arith.constant 9984 : i32
        %dma_wait3A_56 = arith.constant 0 : i32
        %dma_wait3A_57 = tpu.memref_slice %arg7[%dma_wait3A_55, %dma_wait3A_56] : memref<10000x16xf32, #tpu.memory_space<vmem_shared>> -> memref<16x16xf32, #tpu.memory_space<vmem_shared>>
        %dma_wait3A_58 = arith.constant 9984 : i32
        %dma_wait3A_59 = arith.constant 0 : i32
        %dma_wait3A_60 = tpu.memref_slice %arg7[%dma_wait3A_58, %dma_wait3A_59] : memref<10000x16xf32, #tpu.memory_space<vmem_shared>> -> memref<16x16xf32, #tpu.memory_space<vmem_shared>>
        %dma_wait3A_61 = arith.constant 0 : i32
        %dma_wait3A_62 = arith.constant 0 : i32
        %dma_wait3A_63 = tpu.memref_slice %arg6[%dma_wait3A_61, %dma_wait3A_62] : memref<156x16xf32, #tpu.memory_space<vmem>> -> memref<16x16xf32, #tpu.memory_space<vmem>>
        tpu.wait_dma2 semaphore(%run_scoped3A : memref<!tpu.dma_semaphore, #tpu.memory_space<semaphore_mem>>) src(%dma_wait3A_63 : memref<16x16xf32, #tpu.memory_space<vmem>>) dst(%dma_wait3A_60 : memref<16x16xf32, #tpu.memory_space<vmem_shared>>)
        tpu.yield
      }) : () -> ()
    } else {
    }
    %barrier3A = arith.constant 0 : index
    tpu.barrier barrier_id(%barrier3A)
    %scan3A_24 = arith.constant 0 : i32
    %scan3A_25 = arith.constant 0 : i32
    %scan3A_26 = arith.constant 80 : i32
    %scan3A_27 = arith.addi %scan3A_25, %scan3A_26 : i32
    %scan3A_28 = arith.constant 1 : i32
    scf.for %scan3A_42 = %scan3A_25 to %scan3A_27 step %scan3A_28  : i32 {
      "tpu.region"() ({
        %run_scoped3A = tpu.sem_alloc : memref<!tpu.dma_semaphore, #tpu.memory_space<semaphore_mem>>
        %dma_start3A = arith.constant 0 : i32
        %dma_start3A_43 = tpu.memref_slice %arg4[%scan3A_42, %dma_start3A] : memref<80x125xi32, #tpu.memory_space<vmem>> -> memref<1x125xi32, #tpu.memory_space<vmem>>
        %dma_start3A_44 = tpu.memref_squeeze %dma_start3A_43 : memref<1x125xi32, #tpu.memory_space<vmem>> -> memref<125xi32, #tpu.memory_space<vmem>>
        %dma_start3A_45 = arith.constant 0 : i32
        %dma_start3A_46 = arith.constant 0 : i32
        %dma_start3A_47 = tpu.memref_slice %arg7[%dma_start3A_45, %dma_start3A_46] : memref<10000x16xf32, #tpu.memory_space<vmem_shared>> -> memref<10000x16xf32, #tpu.memory_space<vmem_shared>>
        tpu.enqueue_indirect_dma source(%arg5 : memref<125x16xf32, #tpu.memory_space<vmem>>) target(%dma_start3A_47 : memref<10000x16xf32, #tpu.memory_space<vmem_shared>>) offsets(%dma_start3A_44 : memref<125xi32, #tpu.memory_space<vmem>>) semaphore(%run_scoped3A : memref<!tpu.dma_semaphore, #tpu.memory_space<semaphore_mem>>) {add = true}
        %dma_wait3A = arith.constant 0 : i32
        %dma_wait3A_48 = tpu.memref_slice %arg4[%scan3A_42, %dma_wait3A] : memref<80x125xi32, #tpu.memory_space<vmem>> -> memref<1x125xi32, #tpu.memory_space<vmem>>
        %dma_wait3A_49 = tpu.memref_squeeze %dma_wait3A_48 : memref<1x125xi32, #tpu.memory_space<vmem>> -> memref<125xi32, #tpu.memory_space<vmem>>
        %dma_wait3A_50 = arith.constant 0 : i32
        %dma_wait3A_51 = arith.constant 0 : i32
        %dma_wait3A_52 = tpu.memref_slice %arg7[%dma_wait3A_50, %dma_wait3A_51] : memref<10000x16xf32, #tpu.memory_space<vmem_shared>> -> memref<10000x16xf32, #tpu.memory_space<vmem_shared>>
        tpu.wait_indirect_dma semaphore(%run_scoped3A : memref<!tpu.dma_semaphore, #tpu.memory_space<semaphore_mem>>) src(%arg5 : memref<125x16xf32, #tpu.memory_space<vmem>>) dst(%dma_wait3A_52 : memref<10000x16xf32, #tpu.memory_space<vmem_shared>>)
        tpu.yield
      }) : () -> ()
    }
    %scan3A_29 = arith.constant 80 : i32
    %barrier3A_30 = arith.constant 0 : index
    tpu.barrier barrier_id(%barrier3A_30)
    %mul3A_31 = arith.constant 10000 : i32
    %mul3A_32 = arith.muli %arg0, %mul3A_31 : i32
    %mul3A_33 = arith.constant 624 : i32
    %mul3A_34 = arith.muli %arg1, %mul3A_33 : i32
    %add3A_35 = arith.addi %mul3A_32, %mul3A_34 : i32
    %multiple_of3A_36 = tpu.assume_multiple %add3A_35, 8 : i32
    "tpu.region"() ({
      %run_scoped3A = tpu.sem_alloc : memref<!tpu.dma_semaphore, #tpu.memory_space<semaphore_mem>>
      %dma_start3A = arith.constant 0 : i32
      %dma_start3A_42 = tpu.memref_slice %arg3[%multiple_of3A_36, %dma_start3A] : memref<20000x16xf32, #tpu.memory_space<hbm>> -> memref<624x16xf32, #tpu.memory_space<hbm>>
      %dma_start3A_43 = arith.constant 0 : i32
      %dma_start3A_44 = tpu.memref_slice %arg7[%multiple_of3A_14, %dma_start3A_43] : memref<10000x16xf32, #tpu.memory_space<vmem_shared>> -> memref<624x16xf32, #tpu.memory_space<vmem_shared>>
      tpu.enqueue_dma source(%dma_start3A_44 : memref<624x16xf32, #tpu.memory_space<vmem_shared>>) target(%dma_start3A_42 : memref<624x16xf32, #tpu.memory_space<hbm>>) target_semaphore(%run_scoped3A : memref<!tpu.dma_semaphore, #tpu.memory_space<semaphore_mem>>)
      %dma_wait3A = arith.constant 0 : i32
      %dma_wait3A_45 = tpu.memref_slice %arg3[%multiple_of3A_36, %dma_wait3A] : memref<20000x16xf32, #tpu.memory_space<hbm>> -> memref<624x16xf32, #tpu.memory_space<hbm>>
      %dma_wait3A_46 = arith.constant 0 : i32
      %dma_wait3A_47 = tpu.memref_slice %arg7[%multiple_of3A_14, %dma_wait3A_46] : memref<10000x16xf32, #tpu.memory_space<vmem_shared>> -> memref<624x16xf32, #tpu.memory_space<vmem_shared>>
      tpu.wait_dma2 semaphore(%run_scoped3A : memref<!tpu.dma_semaphore, #tpu.memory_space<semaphore_mem>>) src(%dma_wait3A_47 : memref<624x16xf32, #tpu.memory_space<vmem_shared>>) dst(%dma_wait3A_45 : memref<624x16xf32, #tpu.memory_space<hbm>>)
      tpu.yield
    }) : () -> ()
    %eq3A_37 = arith.constant 15 : i32
    %eq3A_38 = arith.cmpi eq, %arg1, %eq3A_37 : i32
    %convert_element_type3A_39 = arith.extui %eq3A_38 : i1 to i32
    %cond3A_40 = arith.constant 0 : i32
    %cond3A_41 = arith.cmpi ne, %convert_element_type3A_39, %cond3A_40 : i32
    scf.if %cond3A_41 {
      %mul3A_42 = arith.constant 10000 : i32
      %mul3A_43 = arith.muli %arg0, %mul3A_42 : i32
      %add3A_44 = arith.constant 10000 : i32
      %add3A_45 = arith.addi %mul3A_43, %add3A_44 : i32
      %sub3A = arith.constant 16 : i32
      %sub3A_46 = arith.subi %add3A_45, %sub3A : i32
      %multiple_of3A_47 = tpu.assume_multiple %sub3A_46, 8 : i32
      "tpu.region"() ({
        %run_scoped3A = tpu.sem_alloc : memref<!tpu.dma_semaphore, #tpu.memory_space<semaphore_mem>>
        %dma_start3A = arith.constant 0 : i32
        %dma_start3A_48 = tpu.memref_slice %arg3[%multiple_of3A_47, %dma_start3A] : memref<20000x16xf32, #tpu.memory_space<hbm>> -> memref<16x16xf32, #tpu.memory_space<hbm>>
        %dma_start3A_49 = arith.constant 9984 : i32
        %dma_start3A_50 = arith.constant 0 : i32
        %dma_start3A_51 = tpu.memref_slice %arg7[%dma_start3A_49, %dma_start3A_50] : memref<10000x16xf32, #tpu.memory_space<vmem_shared>> -> memref<16x16xf32, #tpu.memory_space<vmem_shared>>
        tpu.enqueue_dma source(%dma_start3A_51 : memref<16x16xf32, #tpu.memory_space<vmem_shared>>) target(%dma_start3A_48 : memref<16x16xf32, #tpu.memory_space<hbm>>) target_semaphore(%run_scoped3A : memref<!tpu.dma_semaphore, #tpu.memory_space<semaphore_mem>>)
        %dma_wait3A = arith.constant 0 : i32
        %dma_wait3A_52 = tpu.memref_slice %arg3[%multiple_of3A_47, %dma_wait3A] : memref<20000x16xf32, #tpu.memory_space<hbm>> -> memref<16x16xf32, #tpu.memory_space<hbm>>
        %dma_wait3A_53 = arith.constant 9984 : i32
        %dma_wait3A_54 = arith.constant 0 : i32
        %dma_wait3A_55 = tpu.memref_slice %arg7[%dma_wait3A_53, %dma_wait3A_54] : memref<10000x16xf32, #tpu.memory_space<vmem_shared>> -> memref<16x16xf32, #tpu.memory_space<vmem_shared>>
        tpu.wait_dma2 semaphore(%run_scoped3A : memref<!tpu.dma_semaphore, #tpu.memory_space<semaphore_mem>>) src(%dma_wait3A_55 : memref<16x16xf32, #tpu.memory_space<vmem_shared>>) dst(%dma_wait3A_52 : memref<16x16xf32, #tpu.memory_space<hbm>>)
        tpu.yield
      }) : () -> ()
    } else {
    }
    return
  }
}

#map = affine_map<(d0, d1) -> (0, 0)>
#map1 = affine_map<(d0, d1) -> (0)>
module attributes {stable_mosaic.version = 14 : i64} {
  func.func @_sc_aggregate(%arg0: i32, %arg1: i32, %arg2: memref<20000x128xf32, #tpu.memory_space<hbm>>, %arg3: memref<320000xi32, #tpu.memory_space<hbm>>, %arg4: memref<160000xi32, #tpu.memory_space<hbm>>, %arg5: memref<20000x128xf32, #tpu.memory_space<hbm>>, %arg6: memref<80xi32, #tpu.memory_space<vmem>>, %arg7: memref<80xi32, #tpu.memory_space<vmem>>, %arg8: memref<80xi32, #tpu.memory_space<vmem>>, %arg9: memref<80xi32, #tpu.memory_space<vmem>>, %arg10: memref<80x128xf32, #tpu.memory_space<vmem>>, %arg11: memref<80x128xf32, #tpu.memory_space<vmem>>, %arg12: memref<156x128xf32, #tpu.memory_space<vmem>>, %arg13: memref<10000x128xf32, #tpu.memory_space<vmem_shared>>, %arg14: memref<!tpu.dma_semaphore, #tpu.memory_space<semaphore_mem>>) attributes {dimension_semantics = [#tpu.dimension_semantics<core_parallel>, #tpu.dimension_semantics<subcore_parallel>], iteration_bounds = array<i64: 2, 16>, scalar_prefetch = 0 : i64, scratch_operands = 9 : i64, tpu.core_type = #tpu.core_type<sc_vector_subcore>, window_params = [{transform_indices = #map}, {transform_indices = #map1}, {transform_indices = #map1}, {transform_indices = #map}]} {
    %mul3A = arith.constant 160000 : i32
    %mul3A_0 = arith.muli %arg0, %mul3A : i32
    %mul3A_1 = arith.constant 10000 : i32
    %mul3A_2 = arith.muli %arg1, %mul3A_1 : i32
    %add3A = arith.addi %mul3A_0, %mul3A_2 : i32
    %mul3A_3 = arith.constant 10000 : i32
    %mul3A_4 = arith.muli %arg1, %mul3A_3 : i32
    %scan3A = arith.constant 0 : i32
    %scan3A_5 = arith.constant 0 : i32
    %scan3A_6 = arith.constant 156 : i32
    %scan3A_7 = arith.addi %scan3A_5, %scan3A_6 : i32
    %scan3A_8 = arith.constant 1 : i32
    scf.for %scan3A_50 = %scan3A_5 to %scan3A_7 step %scan3A_8  : i32 {
      %broadcast_in_dim3A = arith.constant 0.000000e+00 : f32
      %broadcast_in_dim3A_51 = vector.broadcast %broadcast_in_dim3A : f32 to vector<16xf32>
      %swap3A = arith.index_cast %scan3A_50 : i32 to index
      %swap3A_52 = arith.constant 0 : index
      %swap3A_53 = tpu.vector_load %arg12[%swap3A, %swap3A_52] {strides = array<i32>} : memref<156x128xf32, #tpu.memory_space<vmem>>, vector<1x16xf32>,
      %swap3A_54 = vector.shape_cast %swap3A_53 : vector<1x16xf32> to vector<16xf32>
      %swap3A_55 = vector.shape_cast %broadcast_in_dim3A_51 : vector<16xf32> to vector<1x16xf32>
      tpu.vector_store %arg12[%swap3A, %swap3A_52], %swap3A_55 {strides = array<i32>} : memref<156x128xf32, #tpu.memory_space<vmem>>, vector<1x16xf32>,
      %broadcast_in_dim3A_56 = arith.constant 0.000000e+00 : f32
      %broadcast_in_dim3A_57 = vector.broadcast %broadcast_in_dim3A_56 : f32 to vector<16xf32>
      %swap3A_58 = arith.index_cast %scan3A_50 : i32 to index
      %swap3A_59 = arith.constant 16 : index
      %swap3A_60 = tpu.vector_load %arg12[%swap3A_58, %swap3A_59] {strides = array<i32>} : memref<156x128xf32, #tpu.memory_space<vmem>>, vector<1x16xf32>,
      %swap3A_61 = vector.shape_cast %swap3A_60 : vector<1x16xf32> to vector<16xf32>
      %swap3A_62 = vector.shape_cast %broadcast_in_dim3A_57 : vector<16xf32> to vector<1x16xf32>
      tpu.vector_store %arg12[%swap3A_58, %swap3A_59], %swap3A_62 {strides = array<i32>} : memref<156x128xf32, #tpu.memory_space<vmem>>, vector<1x16xf32>,
      %broadcast_in_dim3A_63 = arith.constant 0.000000e+00 : f32
      %broadcast_in_dim3A_64 = vector.broadcast %broadcast_in_dim3A_63 : f32 to vector<16xf32>
      %swap3A_65 = arith.index_cast %scan3A_50 : i32 to index
      %swap3A_66 = arith.constant 32 : index
      %swap3A_67 = tpu.vector_load %arg12[%swap3A_65, %swap3A_66] {strides = array<i32>} : memref<156x128xf32, #tpu.memory_space<vmem>>, vector<1x16xf32>,
      %swap3A_68 = vector.shape_cast %swap3A_67 : vector<1x16xf32> to vector<16xf32>
      %swap3A_69 = vector.shape_cast %broadcast_in_dim3A_64 : vector<16xf32> to vector<1x16xf32>
      tpu.vector_store %arg12[%swap3A_65, %swap3A_66], %swap3A_69 {strides = array<i32>} : memref<156x128xf32, #tpu.memory_space<vmem>>, vector<1x16xf32>,
      %broadcast_in_dim3A_70 = arith.constant 0.000000e+00 : f32
      %broadcast_in_dim3A_71 = vector.broadcast %broadcast_in_dim3A_70 : f32 to vector<16xf32>
      %swap3A_72 = arith.index_cast %scan3A_50 : i32 to index
      %swap3A_73 = arith.constant 48 : index
      %swap3A_74 = tpu.vector_load %arg12[%swap3A_72, %swap3A_73] {strides = array<i32>} : memref<156x128xf32, #tpu.memory_space<vmem>>, vector<1x16xf32>,
      %swap3A_75 = vector.shape_cast %swap3A_74 : vector<1x16xf32> to vector<16xf32>
      %swap3A_76 = vector.shape_cast %broadcast_in_dim3A_71 : vector<16xf32> to vector<1x16xf32>
      tpu.vector_store %arg12[%swap3A_72, %swap3A_73], %swap3A_76 {strides = array<i32>} : memref<156x128xf32, #tpu.memory_space<vmem>>, vector<1x16xf32>,
      %broadcast_in_dim3A_77 = arith.constant 0.000000e+00 : f32
      %broadcast_in_dim3A_78 = vector.broadcast %broadcast_in_dim3A_77 : f32 to vector<16xf32>
      %swap3A_79 = arith.index_cast %scan3A_50 : i32 to index
      %swap3A_80 = arith.constant 64 : index
      %swap3A_81 = tpu.vector_load %arg12[%swap3A_79, %swap3A_80] {strides = array<i32>} : memref<156x128xf32, #tpu.memory_space<vmem>>, vector<1x16xf32>,
      %swap3A_82 = vector.shape_cast %swap3A_81 : vector<1x16xf32> to vector<16xf32>
      %swap3A_83 = vector.shape_cast %broadcast_in_dim3A_78 : vector<16xf32> to vector<1x16xf32>
      tpu.vector_store %arg12[%swap3A_79, %swap3A_80], %swap3A_83 {strides = array<i32>} : memref<156x128xf32, #tpu.memory_space<vmem>>, vector<1x16xf32>,
      %broadcast_in_dim3A_84 = arith.constant 0.000000e+00 : f32
      %broadcast_in_dim3A_85 = vector.broadcast %broadcast_in_dim3A_84 : f32 to vector<16xf32>
      %swap3A_86 = arith.index_cast %scan3A_50 : i32 to index
      %swap3A_87 = arith.constant 80 : index
      %swap3A_88 = tpu.vector_load %arg12[%swap3A_86, %swap3A_87] {strides = array<i32>} : memref<156x128xf32, #tpu.memory_space<vmem>>, vector<1x16xf32>,
      %swap3A_89 = vector.shape_cast %swap3A_88 : vector<1x16xf32> to vector<16xf32>
      %swap3A_90 = vector.shape_cast %broadcast_in_dim3A_85 : vector<16xf32> to vector<1x16xf32>
      tpu.vector_store %arg12[%swap3A_86, %swap3A_87], %swap3A_90 {strides = array<i32>} : memref<156x128xf32, #tpu.memory_space<vmem>>, vector<1x16xf32>,
      %broadcast_in_dim3A_91 = arith.constant 0.000000e+00 : f32
      %broadcast_in_dim3A_92 = vector.broadcast %broadcast_in_dim3A_91 : f32 to vector<16xf32>
      %swap3A_93 = arith.index_cast %scan3A_50 : i32 to index
      %swap3A_94 = arith.constant 96 : index
      %swap3A_95 = tpu.vector_load %arg12[%swap3A_93, %swap3A_94] {strides = array<i32>} : memref<156x128xf32, #tpu.memory_space<vmem>>, vector<1x16xf32>,
      %swap3A_96 = vector.shape_cast %swap3A_95 : vector<1x16xf32> to vector<16xf32>
      %swap3A_97 = vector.shape_cast %broadcast_in_dim3A_92 : vector<16xf32> to vector<1x16xf32>
      tpu.vector_store %arg12[%swap3A_93, %swap3A_94], %swap3A_97 {strides = array<i32>} : memref<156x128xf32, #tpu.memory_space<vmem>>, vector<1x16xf32>,
      %broadcast_in_dim3A_98 = arith.constant 0.000000e+00 : f32
      %broadcast_in_dim3A_99 = vector.broadcast %broadcast_in_dim3A_98 : f32 to vector<16xf32>
      %swap3A_100 = arith.index_cast %scan3A_50 : i32 to index
      %swap3A_101 = arith.constant 112 : index
      %swap3A_102 = tpu.vector_load %arg12[%swap3A_100, %swap3A_101] {strides = array<i32>} : memref<156x128xf32, #tpu.memory_space<vmem>>, vector<1x16xf32>,
      %swap3A_103 = vector.shape_cast %swap3A_102 : vector<1x16xf32> to vector<16xf32>
      %swap3A_104 = vector.shape_cast %broadcast_in_dim3A_99 : vector<16xf32> to vector<1x16xf32>
      tpu.vector_store %arg12[%swap3A_100, %swap3A_101], %swap3A_104 {strides = array<i32>} : memref<156x128xf32, #tpu.memory_space<vmem>>, vector<1x16xf32>,
    }
    %scan3A_9 = arith.constant 156 : i32
    %mul3A_10 = arith.constant 624 : i32
    %mul3A_11 = arith.muli %arg1, %mul3A_10 : i32
    %multiple_of3A = tpu.assume_multiple %mul3A_11, 8 : i32
    %add3A_12 = arith.constant 0 : i32
    %add3A_13 = arith.addi %multiple_of3A, %add3A_12 : i32
    "tpu.region"() ({
      %run_scoped3A = tpu.sem_alloc : memref<!tpu.dma_semaphore, #tpu.memory_space<semaphore_mem>>
      %dma_start3A_50 = arith.constant 0 : i32
      %dma_start3A_51 = tpu.memref_slice %arg13[%add3A_13, %dma_start3A_50] : memref<10000x128xf32, #tpu.memory_space<vmem_shared>> -> memref<156x128xf32, #tpu.memory_space<vmem_shared>>
      %dma_start3A_52 = arith.constant 0 : i32
      %dma_start3A_53 = tpu.memref_slice %arg13[%add3A_13, %dma_start3A_52] : memref<10000x128xf32, #tpu.memory_space<vmem_shared>> -> memref<156x128xf32, #tpu.memory_space<vmem_shared>>
      tpu.enqueue_dma source(%arg12 : memref<156x128xf32, #tpu.memory_space<vmem>>) target(%dma_start3A_53 : memref<156x128xf32, #tpu.memory_space<vmem_shared>>) target_semaphore(%run_scoped3A : memref<!tpu.dma_semaphore, #tpu.memory_space<semaphore_mem>>)
      %dma_wait3A_54 = arith.constant 0 : i32
      %dma_wait3A_55 = tpu.memref_slice %arg13[%add3A_13, %dma_wait3A_54] : memref<10000x128xf32, #tpu.memory_space<vmem_shared>> -> memref<156x128xf32, #tpu.memory_space<vmem_shared>>
      %dma_wait3A_56 = arith.constant 0 : i32
      %dma_wait3A_57 = tpu.memref_slice %arg13[%add3A_13, %dma_wait3A_56] : memref<10000x128xf32, #tpu.memory_space<vmem_shared>> -> memref<156x128xf32, #tpu.memory_space<vmem_shared>>
      tpu.wait_dma2 semaphore(%run_scoped3A : memref<!tpu.dma_semaphore, #tpu.memory_space<semaphore_mem>>) src(%arg12 : memref<156x128xf32, #tpu.memory_space<vmem>>) dst(%dma_wait3A_57 : memref<156x128xf32, #tpu.memory_space<vmem_shared>>)
      tpu.yield
    }) : () -> ()
    %add3A_14 = arith.constant 156 : i32
    %add3A_15 = arith.addi %multiple_of3A, %add3A_14 : i32
    "tpu.region"() ({
      %run_scoped3A = tpu.sem_alloc : memref<!tpu.dma_semaphore, #tpu.memory_space<semaphore_mem>>
      %dma_start3A_50 = arith.constant 0 : i32
      %dma_start3A_51 = tpu.memref_slice %arg13[%add3A_15, %dma_start3A_50] : memref<10000x128xf32, #tpu.memory_space<vmem_shared>> -> memref<156x128xf32, #tpu.memory_space<vmem_shared>>
      %dma_start3A_52 = arith.constant 0 : i32
      %dma_start3A_53 = tpu.memref_slice %arg13[%add3A_15, %dma_start3A_52] : memref<10000x128xf32, #tpu.memory_space<vmem_shared>> -> memref<156x128xf32, #tpu.memory_space<vmem_shared>>
      tpu.enqueue_dma source(%arg12 : memref<156x128xf32, #tpu.memory_space<vmem>>) target(%dma_start3A_53 : memref<156x128xf32, #tpu.memory_space<vmem_shared>>) target_semaphore(%run_scoped3A : memref<!tpu.dma_semaphore, #tpu.memory_space<semaphore_mem>>)
      %dma_wait3A_54 = arith.constant 0 : i32
      %dma_wait3A_55 = tpu.memref_slice %arg13[%add3A_15, %dma_wait3A_54] : memref<10000x128xf32, #tpu.memory_space<vmem_shared>> -> memref<156x128xf32, #tpu.memory_space<vmem_shared>>
      %dma_wait3A_56 = arith.constant 0 : i32
      %dma_wait3A_57 = tpu.memref_slice %arg13[%add3A_15, %dma_wait3A_56] : memref<10000x128xf32, #tpu.memory_space<vmem_shared>> -> memref<156x128xf32, #tpu.memory_space<vmem_shared>>
      tpu.wait_dma2 semaphore(%run_scoped3A : memref<!tpu.dma_semaphore, #tpu.memory_space<semaphore_mem>>) src(%arg12 : memref<156x128xf32, #tpu.memory_space<vmem>>) dst(%dma_wait3A_57 : memref<156x128xf32, #tpu.memory_space<vmem_shared>>)
      tpu.yield
    }) : () -> ()
    %add3A_16 = arith.constant 312 : i32
    %add3A_17 = arith.addi %multiple_of3A, %add3A_16 : i32
    "tpu.region"() ({
      %run_scoped3A = tpu.sem_alloc : memref<!tpu.dma_semaphore, #tpu.memory_space<semaphore_mem>>
      %dma_start3A_50 = arith.constant 0 : i32
      %dma_start3A_51 = tpu.memref_slice %arg13[%add3A_17, %dma_start3A_50] : memref<10000x128xf32, #tpu.memory_space<vmem_shared>> -> memref<156x128xf32, #tpu.memory_space<vmem_shared>>
      %dma_start3A_52 = arith.constant 0 : i32
      %dma_start3A_53 = tpu.memref_slice %arg13[%add3A_17, %dma_start3A_52] : memref<10000x128xf32, #tpu.memory_space<vmem_shared>> -> memref<156x128xf32, #tpu.memory_space<vmem_shared>>
      tpu.enqueue_dma source(%arg12 : memref<156x128xf32, #tpu.memory_space<vmem>>) target(%dma_start3A_53 : memref<156x128xf32, #tpu.memory_space<vmem_shared>>) target_semaphore(%run_scoped3A : memref<!tpu.dma_semaphore, #tpu.memory_space<semaphore_mem>>)
      %dma_wait3A_54 = arith.constant 0 : i32
      %dma_wait3A_55 = tpu.memref_slice %arg13[%add3A_17, %dma_wait3A_54] : memref<10000x128xf32, #tpu.memory_space<vmem_shared>> -> memref<156x128xf32, #tpu.memory_space<vmem_shared>>
      %dma_wait3A_56 = arith.constant 0 : i32
      %dma_wait3A_57 = tpu.memref_slice %arg13[%add3A_17, %dma_wait3A_56] : memref<10000x128xf32, #tpu.memory_space<vmem_shared>> -> memref<156x128xf32, #tpu.memory_space<vmem_shared>>
      tpu.wait_dma2 semaphore(%run_scoped3A : memref<!tpu.dma_semaphore, #tpu.memory_space<semaphore_mem>>) src(%arg12 : memref<156x128xf32, #tpu.memory_space<vmem>>) dst(%dma_wait3A_57 : memref<156x128xf32, #tpu.memory_space<vmem_shared>>)
      tpu.yield
    }) : () -> ()
    %add3A_18 = arith.constant 468 : i32
    %add3A_19 = arith.addi %multiple_of3A, %add3A_18 : i32
    "tpu.region"() ({
      %run_scoped3A = tpu.sem_alloc : memref<!tpu.dma_semaphore, #tpu.memory_space<semaphore_mem>>
      %dma_start3A_50 = arith.constant 0 : i32
      %dma_start3A_51 = tpu.memref_slice %arg13[%add3A_19, %dma_start3A_50] : memref<10000x128xf32, #tpu.memory_space<vmem_shared>> -> memref<156x128xf32, #tpu.memory_space<vmem_shared>>
      %dma_start3A_52 = arith.constant 0 : i32
      %dma_start3A_53 = tpu.memref_slice %arg13[%add3A_19, %dma_start3A_52] : memref<10000x128xf32, #tpu.memory_space<vmem_shared>> -> memref<156x128xf32, #tpu.memory_space<vmem_shared>>
      tpu.enqueue_dma source(%arg12 : memref<156x128xf32, #tpu.memory_space<vmem>>) target(%dma_start3A_53 : memref<156x128xf32, #tpu.memory_space<vmem_shared>>) target_semaphore(%run_scoped3A : memref<!tpu.dma_semaphore, #tpu.memory_space<semaphore_mem>>)
      %dma_wait3A_54 = arith.constant 0 : i32
      %dma_wait3A_55 = tpu.memref_slice %arg13[%add3A_19, %dma_wait3A_54] : memref<10000x128xf32, #tpu.memory_space<vmem_shared>> -> memref<156x128xf32, #tpu.memory_space<vmem_shared>>
      %dma_wait3A_56 = arith.constant 0 : i32
      %dma_wait3A_57 = tpu.memref_slice %arg13[%add3A_19, %dma_wait3A_56] : memref<10000x128xf32, #tpu.memory_space<vmem_shared>> -> memref<156x128xf32, #tpu.memory_space<vmem_shared>>
      tpu.wait_dma2 semaphore(%run_scoped3A : memref<!tpu.dma_semaphore, #tpu.memory_space<semaphore_mem>>) src(%arg12 : memref<156x128xf32, #tpu.memory_space<vmem>>) dst(%dma_wait3A_57 : memref<156x128xf32, #tpu.memory_space<vmem_shared>>)
      tpu.yield
    }) : () -> ()
    %eq3A = arith.constant 15 : i32
    %eq3A_20 = arith.cmpi eq, %arg1, %eq3A : i32
    %convert_element_type3A = arith.extui %eq3A_20 : i1 to i32
    %cond3A = arith.constant 0 : i32
    %cond3A_21 = arith.cmpi ne, %convert_element_type3A, %cond3A : i32
    scf.if %cond3A_21 {
      "tpu.region"() ({
        %run_scoped3A = tpu.sem_alloc : memref<!tpu.dma_semaphore, #tpu.memory_space<semaphore_mem>>
        %dma_start3A_50 = arith.constant 0 : i32
        %dma_start3A_51 = arith.constant 0 : i32
        %dma_start3A_52 = tpu.memref_slice %arg12[%dma_start3A_50, %dma_start3A_51] : memref<156x128xf32, #tpu.memory_space<vmem>> -> memref<16x128xf32, #tpu.memory_space<vmem>>
        %dma_start3A_53 = arith.constant 9984 : i32
        %dma_start3A_54 = arith.constant 0 : i32
        %dma_start3A_55 = tpu.memref_slice %arg13[%dma_start3A_53, %dma_start3A_54] : memref<10000x128xf32, #tpu.memory_space<vmem_shared>> -> memref<16x128xf32, #tpu.memory_space<vmem_shared>>
        %dma_start3A_56 = arith.constant 9984 : i32
        %dma_start3A_57 = arith.constant 0 : i32
        %dma_start3A_58 = tpu.memref_slice %arg13[%dma_start3A_56, %dma_start3A_57] : memref<10000x128xf32, #tpu.memory_space<vmem_shared>> -> memref<16x128xf32, #tpu.memory_space<vmem_shared>>
        %dma_start3A_59 = arith.constant 0 : i32
        %dma_start3A_60 = arith.constant 0 : i32
        %dma_start3A_61 = tpu.memref_slice %arg12[%dma_start3A_59, %dma_start3A_60] : memref<156x128xf32, #tpu.memory_space<vmem>> -> memref<16x128xf32, #tpu.memory_space<vmem>>
        tpu.enqueue_dma source(%dma_start3A_61 : memref<16x128xf32, #tpu.memory_space<vmem>>) target(%dma_start3A_58 : memref<16x128xf32, #tpu.memory_space<vmem_shared>>) target_semaphore(%run_scoped3A : memref<!tpu.dma_semaphore, #tpu.memory_space<semaphore_mem>>)
        %dma_wait3A_62 = arith.constant 0 : i32
        %dma_wait3A_63 = arith.constant 0 : i32
        %dma_wait3A_64 = tpu.memref_slice %arg12[%dma_wait3A_62, %dma_wait3A_63] : memref<156x128xf32, #tpu.memory_space<vmem>> -> memref<16x128xf32, #tpu.memory_space<vmem>>
        %dma_wait3A_65 = arith.constant 9984 : i32
        %dma_wait3A_66 = arith.constant 0 : i32
        %dma_wait3A_67 = tpu.memref_slice %arg13[%dma_wait3A_65, %dma_wait3A_66] : memref<10000x128xf32, #tpu.memory_space<vmem_shared>> -> memref<16x128xf32, #tpu.memory_space<vmem_shared>>
        %dma_wait3A_68 = arith.constant 9984 : i32
        %dma_wait3A_69 = arith.constant 0 : i32
        %dma_wait3A_70 = tpu.memref_slice %arg13[%dma_wait3A_68, %dma_wait3A_69] : memref<10000x128xf32, #tpu.memory_space<vmem_shared>> -> memref<16x128xf32, #tpu.memory_space<vmem_shared>>
        %dma_wait3A_71 = arith.constant 0 : i32
        %dma_wait3A_72 = arith.constant 0 : i32
        %dma_wait3A_73 = tpu.memref_slice %arg12[%dma_wait3A_71, %dma_wait3A_72] : memref<156x128xf32, #tpu.memory_space<vmem>> -> memref<16x128xf32, #tpu.memory_space<vmem>>
        tpu.wait_dma2 semaphore(%run_scoped3A : memref<!tpu.dma_semaphore, #tpu.memory_space<semaphore_mem>>) src(%dma_wait3A_73 : memref<16x128xf32, #tpu.memory_space<vmem>>) dst(%dma_wait3A_70 : memref<16x128xf32, #tpu.memory_space<vmem_shared>>)
        tpu.yield
      }) : () -> ()
    } else {
    }
    %add3A_22 = arith.constant 0 : i32
    %add3A_23 = arith.addi %add3A, %add3A_22 : i32
    %multiple_of3A_24 = tpu.assume_multiple %add3A_23, 8 : i32
    "tpu.region"() ({
      %run_scoped3A = tpu.sem_alloc : memref<!tpu.dma_semaphore, #tpu.memory_space<semaphore_mem>>
      %dma_start3A_50 = tpu.memref_slice %arg3[%multiple_of3A_24] : memref<320000xi32, #tpu.memory_space<hbm>> -> memref<80xi32, #tpu.memory_space<hbm>>
      %dma_start3A_51 = tpu.memref_slice %arg3[%multiple_of3A_24] : memref<320000xi32, #tpu.memory_space<hbm>> -> memref<80xi32, #tpu.memory_space<hbm>>
      tpu.enqueue_dma source(%dma_start3A_51 : memref<80xi32, #tpu.memory_space<hbm>>) target(%arg6 : memref<80xi32, #tpu.memory_space<vmem>>) target_semaphore(%run_scoped3A : memref<!tpu.dma_semaphore, #tpu.memory_space<semaphore_mem>>)
      %dma_wait3A_52 = tpu.memref_slice %arg3[%multiple_of3A_24] : memref<320000xi32, #tpu.memory_space<hbm>> -> memref<80xi32, #tpu.memory_space<hbm>>
      %dma_wait3A_53 = tpu.memref_slice %arg3[%multiple_of3A_24] : memref<320000xi32, #tpu.memory_space<hbm>> -> memref<80xi32, #tpu.memory_space<hbm>>
      tpu.wait_dma2 semaphore(%run_scoped3A : memref<!tpu.dma_semaphore, #tpu.memory_space<semaphore_mem>>) src(%dma_wait3A_53 : memref<80xi32, #tpu.memory_space<hbm>>) dst(%arg6 : memref<80xi32, #tpu.memory_space<vmem>>)
      tpu.yield
    }) : () -> ()
    %add3A_25 = arith.constant 0 : i32
    %add3A_26 = arith.addi %mul3A_4, %add3A_25 : i32
    %multiple_of3A_27 = tpu.assume_multiple %add3A_26, 8 : i32
    "tpu.region"() ({
      %run_scoped3A = tpu.sem_alloc : memref<!tpu.dma_semaphore, #tpu.memory_space<semaphore_mem>>
      %dma_start3A_50 = tpu.memref_slice %arg4[%multiple_of3A_27] : memref<160000xi32, #tpu.memory_space<hbm>> -> memref<80xi32, #tpu.memory_space<hbm>>
      %dma_start3A_51 = tpu.memref_slice %arg4[%multiple_of3A_27] : memref<160000xi32, #tpu.memory_space<hbm>> -> memref<80xi32, #tpu.memory_space<hbm>>
      tpu.enqueue_dma source(%dma_start3A_51 : memref<80xi32, #tpu.memory_space<hbm>>) target(%arg8 : memref<80xi32, #tpu.memory_space<vmem>>) target_semaphore(%run_scoped3A : memref<!tpu.dma_semaphore, #tpu.memory_space<semaphore_mem>>)
      %dma_wait3A_52 = tpu.memref_slice %arg4[%multiple_of3A_27] : memref<160000xi32, #tpu.memory_space<hbm>> -> memref<80xi32, #tpu.memory_space<hbm>>
      %dma_wait3A_53 = tpu.memref_slice %arg4[%multiple_of3A_27] : memref<160000xi32, #tpu.memory_space<hbm>> -> memref<80xi32, #tpu.memory_space<hbm>>
      tpu.wait_dma2 semaphore(%run_scoped3A : memref<!tpu.dma_semaphore, #tpu.memory_space<semaphore_mem>>) src(%dma_wait3A_53 : memref<80xi32, #tpu.memory_space<hbm>>) dst(%arg8 : memref<80xi32, #tpu.memory_space<vmem>>)
      tpu.yield
    }) : () -> ()
    %dma_start3A = arith.constant 0 : i32
    %dma_start3A_28 = arith.constant 0 : i32
    %dma_start3A_29 = tpu.memref_slice %arg2[%dma_start3A, %dma_start3A_28] : memref<20000x128xf32, #tpu.memory_space<hbm>> -> memref<20000x128xf32, #tpu.memory_space<hbm>>
    tpu.enqueue_indirect_dma source(%dma_start3A_29 : memref<20000x128xf32, #tpu.memory_space<hbm>>) target(%arg10 : memref<80x128xf32, #tpu.memory_space<vmem>>) offsets(%arg6 : memref<80xi32, #tpu.memory_space<vmem>>) semaphore(%arg14 : memref<!tpu.dma_semaphore, #tpu.memory_space<semaphore_mem>>)
    %barrier3A = arith.constant 0 : index
    tpu.barrier barrier_id(%barrier3A)
    %scan3A_30 = arith.constant 0 : i32
    %scan3A_31 = arith.constant 0 : i32
    %scan3A_32 = arith.constant 62 : i32
    %scan3A_33 = arith.addi %scan3A_31, %scan3A_32 : i32
    %scan3A_34 = arith.constant 1 : i32
    scf.for %scan3A_50 = %scan3A_31 to %scan3A_33 step %scan3A_34  : i32 {
      %mul3A_51 = arith.constant 2 : i32
      %mul3A_52 = arith.muli %mul3A_51, %scan3A_50 : i32
      %add3A_53 = arith.constant 1 : i32
      %add3A_54 = arith.addi %mul3A_52, %add3A_53 : i32
      %mul3A_55 = arith.constant 80 : i32
      %mul3A_56 = arith.muli %add3A_54, %mul3A_55 : i32
      %add3A_57 = arith.addi %add3A, %mul3A_56 : i32
      %multiple_of3A_58 = tpu.assume_multiple %add3A_57, 8 : i32
      "tpu.region"() ({
        %run_scoped3A = tpu.sem_alloc : memref<!tpu.dma_semaphore, #tpu.memory_space<semaphore_mem>>
        %dma_start3A_85 = tpu.memref_slice %arg3[%multiple_of3A_58] : memref<320000xi32, #tpu.memory_space<hbm>> -> memref<80xi32, #tpu.memory_space<hbm>>
        %dma_start3A_86 = tpu.memref_slice %arg3[%multiple_of3A_58] : memref<320000xi32, #tpu.memory_space<hbm>> -> memref<80xi32, #tpu.memory_space<hbm>>
        tpu.enqueue_dma source(%dma_start3A_86 : memref<80xi32, #tpu.memory_space<hbm>>) target(%arg7 : memref<80xi32, #tpu.memory_space<vmem>>) target_semaphore(%run_scoped3A : memref<!tpu.dma_semaphore, #tpu.memory_space<semaphore_mem>>)
        %dma_wait3A_87 = tpu.memref_slice %arg3[%multiple_of3A_58] : memref<320000xi32, #tpu.memory_space<hbm>> -> memref<80xi32, #tpu.memory_space<hbm>>
        %dma_wait3A_88 = tpu.memref_slice %arg3[%multiple_of3A_58] : memref<320000xi32, #tpu.memory_space<hbm>> -> memref<80xi32, #tpu.memory_space<hbm>>
        tpu.wait_dma2 semaphore(%run_scoped3A : memref<!tpu.dma_semaphore, #tpu.memory_space<semaphore_mem>>) src(%dma_wait3A_88 : memref<80xi32, #tpu.memory_space<hbm>>) dst(%arg7 : memref<80xi32, #tpu.memory_space<vmem>>)
        tpu.yield
      }) : () -> ()
      %mul3A_59 = arith.constant 80 : i32
      %mul3A_60 = arith.muli %add3A_54, %mul3A_59 : i32
      %add3A_61 = arith.addi %mul3A_4, %mul3A_60 : i32
      %multiple_of3A_62 = tpu.assume_multiple %add3A_61, 8 : i32
      "tpu.region"() ({
        %run_scoped3A = tpu.sem_alloc : memref<!tpu.dma_semaphore, #tpu.memory_space<semaphore_mem>>
        %dma_start3A_85 = tpu.memref_slice %arg4[%multiple_of3A_62] : memref<160000xi32, #tpu.memory_space<hbm>> -> memref<80xi32, #tpu.memory_space<hbm>>
        %dma_start3A_86 = tpu.memref_slice %arg4[%multiple_of3A_62] : memref<160000xi32, #tpu.memory_space<hbm>> -> memref<80xi32, #tpu.memory_space<hbm>>
        tpu.enqueue_dma source(%dma_start3A_86 : memref<80xi32, #tpu.memory_space<hbm>>) target(%arg9 : memref<80xi32, #tpu.memory_space<vmem>>) target_semaphore(%run_scoped3A : memref<!tpu.dma_semaphore, #tpu.memory_space<semaphore_mem>>)
        %dma_wait3A_87 = tpu.memref_slice %arg4[%multiple_of3A_62] : memref<160000xi32, #tpu.memory_space<hbm>> -> memref<80xi32, #tpu.memory_space<hbm>>
        %dma_wait3A_88 = tpu.memref_slice %arg4[%multiple_of3A_62] : memref<160000xi32, #tpu.memory_space<hbm>> -> memref<80xi32, #tpu.memory_space<hbm>>
        tpu.wait_dma2 semaphore(%run_scoped3A : memref<!tpu.dma_semaphore, #tpu.memory_space<semaphore_mem>>) src(%dma_wait3A_88 : memref<80xi32, #tpu.memory_space<hbm>>) dst(%arg9 : memref<80xi32, #tpu.memory_space<vmem>>)
        tpu.yield
      }) : () -> ()
      %dma_wait3A_63 = arith.constant 0 : i32
      %dma_wait3A_64 = arith.constant 0 : i32
      %dma_wait3A_65 = tpu.memref_slice %arg2[%dma_wait3A_63, %dma_wait3A_64] : memref<20000x128xf32, #tpu.memory_space<hbm>> -> memref<20000x128xf32, #tpu.memory_space<hbm>>
      tpu.wait_indirect_dma semaphore(%arg14 : memref<!tpu.dma_semaphore, #tpu.memory_space<semaphore_mem>>) src(%dma_wait3A_65 : memref<20000x128xf32, #tpu.memory_space<hbm>>) dst(%arg10 : memref<80x128xf32, #tpu.memory_space<vmem>>)
      %dma_start3A_66 = arith.constant 0 : i32
      %dma_start3A_67 = arith.constant 0 : i32
      %dma_start3A_68 = tpu.memref_slice %arg2[%dma_start3A_66, %dma_start3A_67] : memref<20000x128xf32, #tpu.memory_space<hbm>> -> memref<20000x128xf32, #tpu.memory_space<hbm>>
      tpu.enqueue_indirect_dma source(%dma_start3A_68 : memref<20000x128xf32, #tpu.memory_space<hbm>>) target(%arg11 : memref<80x128xf32, #tpu.memory_space<vmem>>) offsets(%arg7 : memref<80xi32, #tpu.memory_space<vmem>>) semaphore(%arg14 : memref<!tpu.dma_semaphore, #tpu.memory_space<semaphore_mem>>)
      "tpu.region"() ({
        %run_scoped3A = tpu.sem_alloc : memref<!tpu.dma_semaphore, #tpu.memory_space<semaphore_mem>>
        %dma_start3A_85 = arith.constant 0 : i32
        %dma_start3A_86 = arith.constant 0 : i32
        %dma_start3A_87 = tpu.memref_slice %arg13[%dma_start3A_85, %dma_start3A_86] : memref<10000x128xf32, #tpu.memory_space<vmem_shared>> -> memref<10000x128xf32, #tpu.memory_space<vmem_shared>>
        tpu.enqueue_indirect_dma source(%arg10 : memref<80x128xf32, #tpu.memory_space<vmem>>) target(%dma_start3A_87 : memref<10000x128xf32, #tpu.memory_space<vmem_shared>>) offsets(%arg8 : memref<80xi32, #tpu.memory_space<vmem>>) semaphore(%run_scoped3A : memref<!tpu.dma_semaphore, #tpu.memory_space<semaphore_mem>>) {add = true}
        %dma_wait3A_88 = arith.constant 0 : i32
        %dma_wait3A_89 = arith.constant 0 : i32
        %dma_wait3A_90 = tpu.memref_slice %arg13[%dma_wait3A_88, %dma_wait3A_89] : memref<10000x128xf32, #tpu.memory_space<vmem_shared>> -> memref<10000x128xf32, #tpu.memory_space<vmem_shared>>
        tpu.wait_indirect_dma semaphore(%run_scoped3A : memref<!tpu.dma_semaphore, #tpu.memory_space<semaphore_mem>>) src(%arg10 : memref<80x128xf32, #tpu.memory_space<vmem>>) dst(%dma_wait3A_90 : memref<10000x128xf32, #tpu.memory_space<vmem_shared>>)
        tpu.yield
      }) : () -> ()
      %add3A_69 = arith.constant 2 : i32
      %add3A_70 = arith.addi %mul3A_52, %add3A_69 : i32
      %mul3A_71 = arith.constant 80 : i32
      %mul3A_72 = arith.muli %add3A_70, %mul3A_71 : i32
      %add3A_73 = arith.addi %add3A, %mul3A_72 : i32
      %multiple_of3A_74 = tpu.assume_multiple %add3A_73, 8 : i32
      "tpu.region"() ({
        %run_scoped3A = tpu.sem_alloc : memref<!tpu.dma_semaphore, #tpu.memory_space<semaphore_mem>>
        %dma_start3A_85 = tpu.memref_slice %arg3[%multiple_of3A_74] : memref<320000xi32, #tpu.memory_space<hbm>> -> memref<80xi32, #tpu.memory_space<hbm>>
        %dma_start3A_86 = tpu.memref_slice %arg3[%multiple_of3A_74] : memref<320000xi32, #tpu.memory_space<hbm>> -> memref<80xi32, #tpu.memory_space<hbm>>
        tpu.enqueue_dma source(%dma_start3A_86 : memref<80xi32, #tpu.memory_space<hbm>>) target(%arg6 : memref<80xi32, #tpu.memory_space<vmem>>) target_semaphore(%run_scoped3A : memref<!tpu.dma_semaphore, #tpu.memory_space<semaphore_mem>>)
        %dma_wait3A_87 = tpu.memref_slice %arg3[%multiple_of3A_74] : memref<320000xi32, #tpu.memory_space<hbm>> -> memref<80xi32, #tpu.memory_space<hbm>>
        %dma_wait3A_88 = tpu.memref_slice %arg3[%multiple_of3A_74] : memref<320000xi32, #tpu.memory_space<hbm>> -> memref<80xi32, #tpu.memory_space<hbm>>
        tpu.wait_dma2 semaphore(%run_scoped3A : memref<!tpu.dma_semaphore, #tpu.memory_space<semaphore_mem>>) src(%dma_wait3A_88 : memref<80xi32, #tpu.memory_space<hbm>>) dst(%arg6 : memref<80xi32, #tpu.memory_space<vmem>>)
        tpu.yield
      }) : () -> ()
      %mul3A_75 = arith.constant 80 : i32
      %mul3A_76 = arith.muli %add3A_70, %mul3A_75 : i32
      %add3A_77 = arith.addi %mul3A_4, %mul3A_76 : i32
      %multiple_of3A_78 = tpu.assume_multiple %add3A_77, 8 : i32
      "tpu.region"() ({
        %run_scoped3A = tpu.sem_alloc : memref<!tpu.dma_semaphore, #tpu.memory_space<semaphore_mem>>
        %dma_start3A_85 = tpu.memref_slice %arg4[%multiple_of3A_78] : memref<160000xi32, #tpu.memory_space<hbm>> -> memref<80xi32, #tpu.memory_space<hbm>>
        %dma_start3A_86 = tpu.memref_slice %arg4[%multiple_of3A_78] : memref<160000xi32, #tpu.memory_space<hbm>> -> memref<80xi32, #tpu.memory_space<hbm>>
        tpu.enqueue_dma source(%dma_start3A_86 : memref<80xi32, #tpu.memory_space<hbm>>) target(%arg8 : memref<80xi32, #tpu.memory_space<vmem>>) target_semaphore(%run_scoped3A : memref<!tpu.dma_semaphore, #tpu.memory_space<semaphore_mem>>)
        %dma_wait3A_87 = tpu.memref_slice %arg4[%multiple_of3A_78] : memref<160000xi32, #tpu.memory_space<hbm>> -> memref<80xi32, #tpu.memory_space<hbm>>
        %dma_wait3A_88 = tpu.memref_slice %arg4[%multiple_of3A_78] : memref<160000xi32, #tpu.memory_space<hbm>> -> memref<80xi32, #tpu.memory_space<hbm>>
        tpu.wait_dma2 semaphore(%run_scoped3A : memref<!tpu.dma_semaphore, #tpu.memory_space<semaphore_mem>>) src(%dma_wait3A_88 : memref<80xi32, #tpu.memory_space<hbm>>) dst(%arg8 : memref<80xi32, #tpu.memory_space<vmem>>)
        tpu.yield
      }) : () -> ()
      %dma_wait3A_79 = arith.constant 0 : i32
      %dma_wait3A_80 = arith.constant 0 : i32
      %dma_wait3A_81 = tpu.memref_slice %arg2[%dma_wait3A_79, %dma_wait3A_80] : memref<20000x128xf32, #tpu.memory_space<hbm>> -> memref<20000x128xf32, #tpu.memory_space<hbm>>
      tpu.wait_indirect_dma semaphore(%arg14 : memref<!tpu.dma_semaphore, #tpu.memory_space<semaphore_mem>>) src(%dma_wait3A_81 : memref<20000x128xf32, #tpu.memory_space<hbm>>) dst(%arg11 : memref<80x128xf32, #tpu.memory_space<vmem>>)
      %dma_start3A_82 = arith.constant 0 : i32
      %dma_start3A_83 = arith.constant 0 : i32
      %dma_start3A_84 = tpu.memref_slice %arg2[%dma_start3A_82, %dma_start3A_83] : memref<20000x128xf32, #tpu.memory_space<hbm>> -> memref<20000x128xf32, #tpu.memory_space<hbm>>
      tpu.enqueue_indirect_dma source(%dma_start3A_84 : memref<20000x128xf32, #tpu.memory_space<hbm>>) target(%arg10 : memref<80x128xf32, #tpu.memory_space<vmem>>) offsets(%arg6 : memref<80xi32, #tpu.memory_space<vmem>>) semaphore(%arg14 : memref<!tpu.dma_semaphore, #tpu.memory_space<semaphore_mem>>)
      "tpu.region"() ({
        %run_scoped3A = tpu.sem_alloc : memref<!tpu.dma_semaphore, #tpu.memory_space<semaphore_mem>>
        %dma_start3A_85 = arith.constant 0 : i32
        %dma_start3A_86 = arith.constant 0 : i32
        %dma_start3A_87 = tpu.memref_slice %arg13[%dma_start3A_85, %dma_start3A_86] : memref<10000x128xf32, #tpu.memory_space<vmem_shared>> -> memref<10000x128xf32, #tpu.memory_space<vmem_shared>>
        tpu.enqueue_indirect_dma source(%arg11 : memref<80x128xf32, #tpu.memory_space<vmem>>) target(%dma_start3A_87 : memref<10000x128xf32, #tpu.memory_space<vmem_shared>>) offsets(%arg9 : memref<80xi32, #tpu.memory_space<vmem>>) semaphore(%run_scoped3A : memref<!tpu.dma_semaphore, #tpu.memory_space<semaphore_mem>>) {add = true}
        %dma_wait3A_88 = arith.constant 0 : i32
        %dma_wait3A_89 = arith.constant 0 : i32
        %dma_wait3A_90 = tpu.memref_slice %arg13[%dma_wait3A_88, %dma_wait3A_89] : memref<10000x128xf32, #tpu.memory_space<vmem_shared>> -> memref<10000x128xf32, #tpu.memory_space<vmem_shared>>
        tpu.wait_indirect_dma semaphore(%run_scoped3A : memref<!tpu.dma_semaphore, #tpu.memory_space<semaphore_mem>>) src(%arg11 : memref<80x128xf32, #tpu.memory_space<vmem>>) dst(%dma_wait3A_90 : memref<10000x128xf32, #tpu.memory_space<vmem_shared>>)
        tpu.yield
      }) : () -> ()
    }
    %scan3A_35 = arith.constant 62 : i32
    %dma_wait3A = arith.constant 0 : i32
    %dma_wait3A_36 = arith.constant 0 : i32
    %dma_wait3A_37 = tpu.memref_slice %arg2[%dma_wait3A, %dma_wait3A_36] : memref<20000x128xf32, #tpu.memory_space<hbm>> -> memref<20000x128xf32, #tpu.memory_space<hbm>>
    tpu.wait_indirect_dma semaphore(%arg14 : memref<!tpu.dma_semaphore, #tpu.memory_space<semaphore_mem>>) src(%dma_wait3A_37 : memref<20000x128xf32, #tpu.memory_space<hbm>>) dst(%arg10 : memref<80x128xf32, #tpu.memory_space<vmem>>)
    "tpu.region"() ({
      %run_scoped3A = tpu.sem_alloc : memref<!tpu.dma_semaphore, #tpu.memory_space<semaphore_mem>>
      %dma_start3A_50 = arith.constant 0 : i32
      %dma_start3A_51 = arith.constant 0 : i32
      %dma_start3A_52 = tpu.memref_slice %arg13[%dma_start3A_50, %dma_start3A_51] : memref<10000x128xf32, #tpu.memory_space<vmem_shared>> -> memref<10000x128xf32, #tpu.memory_space<vmem_shared>>
      tpu.enqueue_indirect_dma source(%arg10 : memref<80x128xf32, #tpu.memory_space<vmem>>) target(%dma_start3A_52 : memref<10000x128xf32, #tpu.memory_space<vmem_shared>>) offsets(%arg8 : memref<80xi32, #tpu.memory_space<vmem>>) semaphore(%run_scoped3A : memref<!tpu.dma_semaphore, #tpu.memory_space<semaphore_mem>>) {add = true}
      %dma_wait3A_53 = arith.constant 0 : i32
      %dma_wait3A_54 = arith.constant 0 : i32
      %dma_wait3A_55 = tpu.memref_slice %arg13[%dma_wait3A_53, %dma_wait3A_54] : memref<10000x128xf32, #tpu.memory_space<vmem_shared>> -> memref<10000x128xf32, #tpu.memory_space<vmem_shared>>
      tpu.wait_indirect_dma semaphore(%run_scoped3A : memref<!tpu.dma_semaphore, #tpu.memory_space<semaphore_mem>>) src(%arg10 : memref<80x128xf32, #tpu.memory_space<vmem>>) dst(%dma_wait3A_55 : memref<10000x128xf32, #tpu.memory_space<vmem_shared>>)
      tpu.yield
    }) : () -> ()
    %barrier3A_38 = arith.constant 0 : index
    tpu.barrier barrier_id(%barrier3A_38)
    %mul3A_39 = arith.constant 10000 : i32
    %mul3A_40 = arith.muli %arg0, %mul3A_39 : i32
    %mul3A_41 = arith.constant 624 : i32
    %mul3A_42 = arith.muli %arg1, %mul3A_41 : i32
    %add3A_43 = arith.addi %mul3A_40, %mul3A_42 : i32
    %multiple_of3A_44 = tpu.assume_multiple %add3A_43, 8 : i32
    "tpu.region"() ({
      %run_scoped3A = tpu.sem_alloc : memref<!tpu.dma_semaphore, #tpu.memory_space<semaphore_mem>>
      %dma_start3A_50 = arith.constant 0 : i32
      %dma_start3A_51 = tpu.memref_slice %arg5[%multiple_of3A_44, %dma_start3A_50] : memref<20000x128xf32, #tpu.memory_space<hbm>> -> memref<624x128xf32, #tpu.memory_space<hbm>>
      %dma_start3A_52 = arith.constant 0 : i32
      %dma_start3A_53 = tpu.memref_slice %arg13[%multiple_of3A, %dma_start3A_52] : memref<10000x128xf32, #tpu.memory_space<vmem_shared>> -> memref<624x128xf32, #tpu.memory_space<vmem_shared>>
      tpu.enqueue_dma source(%dma_start3A_53 : memref<624x128xf32, #tpu.memory_space<vmem_shared>>) target(%dma_start3A_51 : memref<624x128xf32, #tpu.memory_space<hbm>>) target_semaphore(%run_scoped3A : memref<!tpu.dma_semaphore, #tpu.memory_space<semaphore_mem>>)
      %dma_wait3A_54 = arith.constant 0 : i32
      %dma_wait3A_55 = tpu.memref_slice %arg5[%multiple_of3A_44, %dma_wait3A_54] : memref<20000x128xf32, #tpu.memory_space<hbm>> -> memref<624x128xf32, #tpu.memory_space<hbm>>
      %dma_wait3A_56 = arith.constant 0 : i32
      %dma_wait3A_57 = tpu.memref_slice %arg13[%multiple_of3A, %dma_wait3A_56] : memref<10000x128xf32, #tpu.memory_space<vmem_shared>> -> memref<624x128xf32, #tpu.memory_space<vmem_shared>>
      tpu.wait_dma2 semaphore(%run_scoped3A : memref<!tpu.dma_semaphore, #tpu.memory_space<semaphore_mem>>) src(%dma_wait3A_57 : memref<624x128xf32, #tpu.memory_space<vmem_shared>>) dst(%dma_wait3A_55 : memref<624x128xf32, #tpu.memory_space<hbm>>)
      tpu.yield
    }) : () -> ()
    %eq3A_45 = arith.constant 15 : i32
    %eq3A_46 = arith.cmpi eq, %arg1, %eq3A_45 : i32
    %convert_element_type3A_47 = arith.extui %eq3A_46 : i1 to i32
    %cond3A_48 = arith.constant 0 : i32
    %cond3A_49 = arith.cmpi ne, %convert_element_type3A_47, %cond3A_48 : i32
    scf.if %cond3A_49 {
      %mul3A_50 = arith.constant 10000 : i32
      %mul3A_51 = arith.muli %arg0, %mul3A_50 : i32
      %add3A_52 = arith.constant 10000 : i32
      %add3A_53 = arith.addi %mul3A_51, %add3A_52 : i32
      %sub3A = arith.constant 16 : i32
      %sub3A_54 = arith.subi %add3A_53, %sub3A : i32
      %multiple_of3A_55 = tpu.assume_multiple %sub3A_54, 8 : i32
      "tpu.region"() ({
        %run_scoped3A = tpu.sem_alloc : memref<!tpu.dma_semaphore, #tpu.memory_space<semaphore_mem>>
        %dma_start3A_56 = arith.constant 0 : i32
        %dma_start3A_57 = tpu.memref_slice %arg5[%multiple_of3A_55, %dma_start3A_56] : memref<20000x128xf32, #tpu.memory_space<hbm>> -> memref<16x128xf32, #tpu.memory_space<hbm>>
        %dma_start3A_58 = arith.constant 9984 : i32
        %dma_start3A_59 = arith.constant 0 : i32
        %dma_start3A_60 = tpu.memref_slice %arg13[%dma_start3A_58, %dma_start3A_59] : memref<10000x128xf32, #tpu.memory_space<vmem_shared>> -> memref<16x128xf32, #tpu.memory_space<vmem_shared>>
        tpu.enqueue_dma source(%dma_start3A_60 : memref<16x128xf32, #tpu.memory_space<vmem_shared>>) target(%dma_start3A_57 : memref<16x128xf32, #tpu.memory_space<hbm>>) target_semaphore(%run_scoped3A : memref<!tpu.dma_semaphore, #tpu.memory_space<semaphore_mem>>)
        %dma_wait3A_61 = arith.constant 0 : i32
        %dma_wait3A_62 = tpu.memref_slice %arg5[%multiple_of3A_55, %dma_wait3A_61] : memref<20000x128xf32, #tpu.memory_space<hbm>> -> memref<16x128xf32, #tpu.memory_space<hbm>>
        %dma_wait3A_63 = arith.constant 9984 : i32
        %dma_wait3A_64 = arith.constant 0 : i32
        %dma_wait3A_65 = tpu.memref_slice %arg13[%dma_wait3A_63, %dma_wait3A_64] : memref<10000x128xf32, #tpu.memory_space<vmem_shared>> -> memref<16x128xf32, #tpu.memory_space<vmem_shared>>
        tpu.wait_dma2 semaphore(%run_scoped3A : memref<!tpu.dma_semaphore, #tpu.memory_space<semaphore_mem>>) src(%dma_wait3A_65 : memref<16x128xf32, #tpu.memory_space<vmem_shared>>) dst(%dma_wait3A_62 : memref<16x128xf32, #tpu.memory_space<hbm>>)
        tpu.yield
      }) : () -> ()
    } else {
    }
    return
  }
}

module attributes {stable_mosaic.version = 14 : i64} {
  func.func @_tc1_body(%arg0: i32, %arg1: memref<2000x256xf32, #tpu.memory_space<vmem>>, %arg2: memref<256x256xf32, #tpu.memory_space<vmem>>, %arg3: memref<2000x16xf32, #tpu.memory_space<vmem>>, %arg4: memref<2x2000x128xf32, #tpu.memory_space<vmem>>) attributes {dimension_semantics = [#tpu.dimension_semantics<arbitrary>], iteration_bounds = array<i64: 5>, scalar_prefetch = 0 : i64, scratch_operands = 0 : i64, tpu.core_type = #tpu.core_type<tc>, window_params = [{transform_indices = @transform_0, window_bounds = array<i64: 2000, 256>}, {pipeline_mode = #tpu.pipeline_mode<synchronous>, transform_indices = @transform_1, window_bounds = array<i64: 256, 256>}, {transform_indices = @transform_2, window_bounds = array<i64: 2000, 16>}, {transform_indices = @transform_3, window_bounds = array<i64: 2, 2000, 128>}]} {
    %get3A = arith.constant 0 : index
    %get3A_0 = arith.constant 0 : index
    %get3A_1 = vector.load %arg3[%get3A, %get3A_0] : memref<2000x16xf32, #tpu.memory_space<vmem>>, vector<2000x1xf32>
    %add3A = arith.constant 1.000000e+00 : f32
    %add3A_2 = vector.broadcast %add3A : f32 to vector<2000x1xf32>
    %add3A_3 = arith.addf %get3A_1, %add3A_2 : vector<2000x1xf32>
    %rsqrt3A = math.rsqrt %add3A_3 : vector<2000x1xf32>
    %get3A_4 = arith.constant 0 : index
    %get3A_5 = arith.constant 0 : index
    %get3A_6 = vector.load %arg1[%get3A_4, %get3A_5] : memref<2000x256xf32, #tpu.memory_space<vmem>>, vector<2000x256xf32>
    %get3A_7 = arith.constant 0 : index
    %get3A_8 = arith.constant 0 : index
    %get3A_9 = vector.load %arg2[%get3A_7, %get3A_8] : memref<256x256xf32, #tpu.memory_space<vmem>>, vector<256x256xf32>
    %dot_general3A = arith.constant dense<0.000000e+00> : vector<2000x256xf32>
    %dot_general3A_10 = tpu.matmul %get3A_6, %get3A_9, %dot_general3A {dimension_numbers = #tpu.dot_dimension_numbers<[1], [0], [0], [1], [0, 0, 1, 1], [], []>, precision = #tpu.contract_precision<fp32>, transpose_lhs_hint = false} : vector<2000x256xf32>, vector<256x256xf32>, vector<2000x256xf32> -> vector<2000x256xf32>
    %mul3A = vector.broadcast %rsqrt3A : vector<2000x1xf32> to vector<2000x256xf32>
    %mul3A_11 = arith.mulf %dot_general3A_10, %mul3A : vector<2000x256xf32>
    %slice3A = vector.extract_strided_slice %mul3A_11 {offsets = [0, 0], sizes = [2000, 128], strides = [1, 1]} : vector<2000x256xf32> to vector<2000x128xf32>
    %swap3A = arith.constant 0 : index
    %swap3A_12 = arith.constant 0 : index
    %swap3A_13 = arith.constant 0 : index
    %swap3A_14 = vector.load %arg4[%swap3A, %swap3A_12, %swap3A_13] : memref<2x2000x128xf32, #tpu.memory_space<vmem>>, vector<1x2000x128xf32>
    %swap3A_15 = vector.shape_cast %swap3A_14 : vector<1x2000x128xf32> to vector<2000x128xf32>
    %swap3A_16 = vector.shape_cast %slice3A : vector<2000x128xf32> to vector<1x2000x128xf32>
    tpu.vector_store %arg4[%swap3A, %swap3A_12, %swap3A_13], %swap3A_16 {strides = array<i32>} : memref<2x2000x128xf32, #tpu.memory_space<vmem>>, vector<1x2000x128xf32>,
    %slice3A_17 = vector.extract_strided_slice %mul3A_11 {offsets = [0, 128], sizes = [2000, 128], strides = [1, 1]} : vector<2000x256xf32> to vector<2000x128xf32>
    %swap3A_18 = arith.constant 1 : index
    %swap3A_19 = arith.constant 0 : index
    %swap3A_20 = arith.constant 0 : index
    %swap3A_21 = vector.load %arg4[%swap3A_18, %swap3A_19, %swap3A_20] : memref<2x2000x128xf32, #tpu.memory_space<vmem>>, vector<1x2000x128xf32>
    %swap3A_22 = vector.shape_cast %swap3A_21 : vector<1x2000x128xf32> to vector<2000x128xf32>
    %swap3A_23 = vector.shape_cast %slice3A_17 : vector<2000x128xf32> to vector<1x2000x128xf32>
    tpu.vector_store %arg4[%swap3A_18, %swap3A_19, %swap3A_20], %swap3A_23 {strides = array<i32>} : memref<2x2000x128xf32, #tpu.memory_space<vmem>>, vector<1x2000x128xf32>,
    return
  }
  func.func @transform_0(%arg0: i32) -> (i32, i32) {
    %c0_i32 = arith.constant 0 : i32
    %c0_i32_0 = arith.constant 0 : i32
    return %arg0, %c0_i32 : i32, i32
  }
  func.func @transform_1(%arg0: i32) -> (i32, i32) {
    %c0_i32 = arith.constant 0 : i32
    %c0_i32_0 = arith.constant 0 : i32
    %c0_i32_1 = arith.constant 0 : i32
    return %c0_i32, %c0_i32_0 : i32, i32
  }
  func.func @transform_2(%arg0: i32) -> (i32, i32) {
    %c0_i32 = arith.constant 0 : i32
    %c0_i32_0 = arith.constant 0 : i32
    return %arg0, %c0_i32 : i32, i32
  }
  func.func @transform_3(%arg0: i32) -> (i32, i32, i32) {
    %c0_i32 = arith.constant 0 : i32
    %c0_i32_0 = arith.constant 0 : i32
    %c0_i32_1 = arith.constant 0 : i32
    return %c0_i32, %arg0, %c0_i32_0 : i32, i32, i32
  }
}

module attributes {stable_mosaic.version = 14 : i64} {
  func.func @_tc2_body(%arg0: i32, %arg1: memref<2000x128xf32, #tpu.memory_space<vmem>>, %arg2: memref<2000x128xf32, #tpu.memory_space<vmem>>, %arg3: memref<2000x128xf32, #tpu.memory_space<vmem>>, %arg4: memref<2000x128xf32, #tpu.memory_space<vmem>>, %arg5: memref<2000x16xf32, #tpu.memory_space<vmem>>, %arg6: memref<2x128xf32, #tpu.memory_space<vmem>>, %arg7: memref<256x256xf32, #tpu.memory_space<vmem>>, %arg8: memref<2x2000x128xf32, #tpu.memory_space<vmem>>) attributes {dimension_semantics = [#tpu.dimension_semantics<arbitrary>], iteration_bounds = array<i64: 5>, scalar_prefetch = 0 : i64, scratch_operands = 0 : i64, tpu.core_type = #tpu.core_type<tc>, window_params = [{transform_indices = @transform_0, window_bounds = array<i64: 2000, 128>}, {transform_indices = @transform_1, window_bounds = array<i64: 2000, 128>}, {transform_indices = @transform_2, window_bounds = array<i64: 2000, 128>}, {transform_indices = @transform_3, window_bounds = array<i64: 2000, 128>}, {transform_indices = @transform_4, window_bounds = array<i64: 2000, 16>}, {pipeline_mode = #tpu.pipeline_mode<synchronous>, transform_indices = @transform_5, window_bounds = array<i64: 2, 128>}, {pipeline_mode = #tpu.pipeline_mode<synchronous>, transform_indices = @transform_6, window_bounds = array<i64: 256, 256>}, {transform_indices = @transform_7, window_bounds = array<i64: 2, 2000, 128>}]} {
    %get3A = arith.constant 0 : index
    %get3A_0 = arith.constant 0 : index
    %get3A_1 = vector.load %arg5[%get3A, %get3A_0] : memref<2000x16xf32, #tpu.memory_space<vmem>>, vector<2000x1xf32>
    %add3A = arith.constant 1.000000e+00 : f32
    %add3A_2 = vector.broadcast %add3A : f32 to vector<2000x1xf32>
    %add3A_3 = arith.addf %get3A_1, %add3A_2 : vector<2000x1xf32>
    %rsqrt3A = math.rsqrt %add3A_3 : vector<2000x1xf32>
    %get3A_4 = arith.constant 0 : index
    %get3A_5 = arith.constant 0 : index
    %get3A_6 = vector.load %arg1[%get3A_4, %get3A_5] : memref<2000x128xf32, #tpu.memory_space<vmem>>, vector<2000x128xf32>
    %get3A_7 = arith.constant 0 : index
    %get3A_8 = arith.constant 0 : index
    %get3A_9 = vector.load %arg3[%get3A_7, %get3A_8] : memref<2000x128xf32, #tpu.memory_space<vmem>>, vector<2000x128xf32>
    %add3A_10 = arith.addf %get3A_6, %get3A_9 : vector<2000x128xf32>
    %mul3A = vector.broadcast %rsqrt3A : vector<2000x1xf32> to vector<2000x128xf32>
    %mul3A_11 = arith.mulf %mul3A, %add3A_10 : vector<2000x128xf32>
    %get3A_12 = arith.constant 0 : index
    %get3A_13 = arith.constant 0 : index
    %get3A_14 = vector.load %arg6[%get3A_12, %get3A_13] : memref<2x128xf32, #tpu.memory_space<vmem>>, vector<1x128xf32>
    %add3A_15 = vector.broadcast %get3A_14 : vector<1x128xf32> to vector<2000x128xf32>
    %add3A_16 = arith.addf %mul3A_11, %add3A_15 : vector<2000x128xf32>
    %max3A = arith.constant 0.000000e+00 : f32
    %max3A_17 = vector.broadcast %max3A : f32 to vector<2000x128xf32>
    %max3A_18 = arith.maximumf %add3A_16, %max3A_17 : vector<2000x128xf32>
    %get3A_19 = arith.constant 0 : index
    %get3A_20 = arith.constant 0 : index
    %get3A_21 = vector.load %arg2[%get3A_19, %get3A_20] : memref<2000x128xf32, #tpu.memory_space<vmem>>, vector<2000x128xf32>
    %get3A_22 = arith.constant 0 : index
    %get3A_23 = arith.constant 0 : index
    %get3A_24 = vector.load %arg4[%get3A_22, %get3A_23] : memref<2000x128xf32, #tpu.memory_space<vmem>>, vector<2000x128xf32>
    %add3A_25 = arith.addf %get3A_21, %get3A_24 : vector<2000x128xf32>
    %mul3A_26 = vector.broadcast %rsqrt3A : vector<2000x1xf32> to vector<2000x128xf32>
    %mul3A_27 = arith.mulf %mul3A_26, %add3A_25 : vector<2000x128xf32>
    %get3A_28 = arith.constant 1 : index
    %get3A_29 = arith.constant 0 : index
    %get3A_30 = vector.load %arg6[%get3A_28, %get3A_29] : memref<2x128xf32, #tpu.memory_space<vmem>>, vector<1x128xf32>
    %add3A_31 = vector.broadcast %get3A_30 : vector<1x128xf32> to vector<2000x128xf32>
    %add3A_32 = arith.addf %mul3A_27, %add3A_31 : vector<2000x128xf32>
    %max3A_33 = arith.constant 0.000000e+00 : f32
    %max3A_34 = vector.broadcast %max3A_33 : f32 to vector<2000x128xf32>
    %max3A_35 = arith.maximumf %add3A_32, %max3A_34 : vector<2000x128xf32>
    %concatenate3A = tpu.concatenate %max3A_18, %max3A_35 in 1 : vector<2000x128xf32>, vector<2000x128xf32> -> vector<2000x256xf32>
    %get3A_36 = arith.constant 0 : index
    %get3A_37 = arith.constant 0 : index
    %get3A_38 = vector.load %arg7[%get3A_36, %get3A_37] : memref<256x256xf32, #tpu.memory_space<vmem>>, vector<256x256xf32>
    %dot_general3A = arith.constant dense<0.000000e+00> : vector<2000x256xf32>
    %dot_general3A_39 = tpu.matmul %concatenate3A, %get3A_38, %dot_general3A {dimension_numbers = #tpu.dot_dimension_numbers<[1], [0], [0], [1], [0, 0, 1, 1], [], []>, precision = #tpu.contract_precision<fp32>, transpose_lhs_hint = false} : vector<2000x256xf32>, vector<256x256xf32>, vector<2000x256xf32> -> vector<2000x256xf32>
    %mul3A_40 = vector.broadcast %rsqrt3A : vector<2000x1xf32> to vector<2000x256xf32>
    %mul3A_41 = arith.mulf %dot_general3A_39, %mul3A_40 : vector<2000x256xf32>
    %slice3A = vector.extract_strided_slice %mul3A_41 {offsets = [0, 0], sizes = [2000, 128], strides = [1, 1]} : vector<2000x256xf32> to vector<2000x128xf32>
    %swap3A = arith.constant 0 : index
    %swap3A_42 = arith.constant 0 : index
    %swap3A_43 = arith.constant 0 : index
    %swap3A_44 = vector.load %arg8[%swap3A, %swap3A_42, %swap3A_43] : memref<2x2000x128xf32, #tpu.memory_space<vmem>>, vector<1x2000x128xf32>
    %swap3A_45 = vector.shape_cast %swap3A_44 : vector<1x2000x128xf32> to vector<2000x128xf32>
    %swap3A_46 = vector.shape_cast %slice3A : vector<2000x128xf32> to vector<1x2000x128xf32>
    tpu.vector_store %arg8[%swap3A, %swap3A_42, %swap3A_43], %swap3A_46 {strides = array<i32>} : memref<2x2000x128xf32, #tpu.memory_space<vmem>>, vector<1x2000x128xf32>,
    %slice3A_47 = vector.extract_strided_slice %mul3A_41 {offsets = [0, 128], sizes = [2000, 128], strides = [1, 1]} : vector<2000x256xf32> to vector<2000x128xf32>
    %swap3A_48 = arith.constant 1 : index
    %swap3A_49 = arith.constant 0 : index
    %swap3A_50 = arith.constant 0 : index
    %swap3A_51 = vector.load %arg8[%swap3A_48, %swap3A_49, %swap3A_50] : memref<2x2000x128xf32, #tpu.memory_space<vmem>>, vector<1x2000x128xf32>
    %swap3A_52 = vector.shape_cast %swap3A_51 : vector<1x2000x128xf32> to vector<2000x128xf32>
    %swap3A_53 = vector.shape_cast %slice3A_47 : vector<2000x128xf32> to vector<1x2000x128xf32>
    tpu.vector_store %arg8[%swap3A_48, %swap3A_49, %swap3A_50], %swap3A_53 {strides = array<i32>} : memref<2x2000x128xf32, #tpu.memory_space<vmem>>, vector<1x2000x128xf32>,
    return
  }
  func.func @transform_0(%arg0: i32) -> (i32, i32) {
    %c0_i32 = arith.constant 0 : i32
    %c0_i32_0 = arith.constant 0 : i32
    return %arg0, %c0_i32 : i32, i32
  }
  func.func @transform_1(%arg0: i32) -> (i32, i32) {
    %add3A = arith.constant 5 : i32
    %add3A_0 = arith.addi %add3A, %arg0 : i32
    %c0_i32 = arith.constant 0 : i32
    %c0_i32_1 = arith.constant 0 : i32
    return %add3A_0, %c0_i32 : i32, i32
  }
  func.func @transform_2(%arg0: i32) -> (i32, i32) {
    %c0_i32 = arith.constant 0 : i32
    %c0_i32_0 = arith.constant 0 : i32
    return %arg0, %c0_i32 : i32, i32
  }
  func.func @transform_3(%arg0: i32) -> (i32, i32) {
    %add3A = arith.constant 5 : i32
    %add3A_0 = arith.addi %add3A, %arg0 : i32
    %c0_i32 = arith.constant 0 : i32
    %c0_i32_1 = arith.constant 0 : i32
    return %add3A_0, %c0_i32 : i32, i32
  }
  func.func @transform_4(%arg0: i32) -> (i32, i32) {
    %c0_i32 = arith.constant 0 : i32
    %c0_i32_0 = arith.constant 0 : i32
    return %arg0, %c0_i32 : i32, i32
  }
  func.func @transform_5(%arg0: i32) -> (i32, i32) {
    %c0_i32 = arith.constant 0 : i32
    %c0_i32_0 = arith.constant 0 : i32
    %c0_i32_1 = arith.constant 0 : i32
    return %c0_i32, %c0_i32_0 : i32, i32
  }
  func.func @transform_6(%arg0: i32) -> (i32, i32) {
    %c0_i32 = arith.constant 0 : i32
    %c0_i32_0 = arith.constant 0 : i32
    %c0_i32_1 = arith.constant 0 : i32
    return %c0_i32, %c0_i32_0 : i32, i32
  }
  func.func @transform_7(%arg0: i32) -> (i32, i32, i32) {
    %c0_i32 = arith.constant 0 : i32
    %c0_i32_0 = arith.constant 0 : i32
    %c0_i32_1 = arith.constant 0 : i32
    return %c0_i32, %arg0, %c0_i32_0 : i32, i32, i32
  }
}

module attributes {stable_mosaic.version = 14 : i64} {
  func.func @_tc3_body(%arg0: i32, %arg1: memref<2000x128xf32, #tpu.memory_space<vmem>>, %arg2: memref<2000x128xf32, #tpu.memory_space<vmem>>, %arg3: memref<2000x128xf32, #tpu.memory_space<vmem>>, %arg4: memref<2000x128xf32, #tpu.memory_space<vmem>>, %arg5: memref<2000x16xf32, #tpu.memory_space<vmem>>, %arg6: memref<1x256xf32, #tpu.memory_space<vmem>>, %arg7: memref<2000x256xf32, #tpu.memory_space<vmem>>) attributes {dimension_semantics = [#tpu.dimension_semantics<arbitrary>], iteration_bounds = array<i64: 5>, scalar_prefetch = 0 : i64, scratch_operands = 0 : i64, tpu.core_type = #tpu.core_type<tc>, window_params = [{transform_indices = @transform_0, window_bounds = array<i64: 2000, 128>}, {transform_indices = @transform_1, window_bounds = array<i64: 2000, 128>}, {transform_indices = @transform_2, window_bounds = array<i64: 2000, 128>}, {transform_indices = @transform_3, window_bounds = array<i64: 2000, 128>}, {transform_indices = @transform_4, window_bounds = array<i64: 2000, 16>}, {pipeline_mode = #tpu.pipeline_mode<synchronous>, transform_indices = @transform_5, window_bounds = array<i64: 1, 256>}, {transform_indices = @transform_6, window_bounds = array<i64: 2000, 256>}]} {
    %get3A = arith.constant 0 : index
    %get3A_0 = arith.constant 0 : index
    %get3A_1 = vector.load %arg5[%get3A, %get3A_0] : memref<2000x16xf32, #tpu.memory_space<vmem>>, vector<2000x1xf32>
    %add3A = arith.constant 1.000000e+00 : f32
    %add3A_2 = vector.broadcast %add3A : f32 to vector<2000x1xf32>
    %add3A_3 = arith.addf %get3A_1, %add3A_2 : vector<2000x1xf32>
    %rsqrt3A = math.rsqrt %add3A_3 : vector<2000x1xf32>
    %get3A_4 = arith.constant 0 : index
    %get3A_5 = arith.constant 0 : index
    %get3A_6 = vector.load %arg1[%get3A_4, %get3A_5] : memref<2000x128xf32, #tpu.memory_space<vmem>>, vector<2000x128xf32>
    %get3A_7 = arith.constant 0 : index
    %get3A_8 = arith.constant 0 : index
    %get3A_9 = vector.load %arg3[%get3A_7, %get3A_8] : memref<2000x128xf32, #tpu.memory_space<vmem>>, vector<2000x128xf32>
    %add3A_10 = arith.addf %get3A_6, %get3A_9 : vector<2000x128xf32>
    %mul3A = vector.broadcast %rsqrt3A : vector<2000x1xf32> to vector<2000x128xf32>
    %mul3A_11 = arith.mulf %mul3A, %add3A_10 : vector<2000x128xf32>
    %get3A_12 = arith.constant 0 : index
    %get3A_13 = arith.constant 0 : index
    %get3A_14 = vector.load %arg2[%get3A_12, %get3A_13] : memref<2000x128xf32, #tpu.memory_space<vmem>>, vector<2000x128xf32>
    %get3A_15 = arith.constant 0 : index
    %get3A_16 = arith.constant 0 : index
    %get3A_17 = vector.load %arg4[%get3A_15, %get3A_16] : memref<2000x128xf32, #tpu.memory_space<vmem>>, vector<2000x128xf32>
    %add3A_18 = arith.addf %get3A_14, %get3A_17 : vector<2000x128xf32>
    %mul3A_19 = vector.broadcast %rsqrt3A : vector<2000x1xf32> to vector<2000x128xf32>
    %mul3A_20 = arith.mulf %mul3A_19, %add3A_18 : vector<2000x128xf32>
    %concatenate3A = tpu.concatenate %mul3A_11, %mul3A_20 in 1 : vector<2000x128xf32>, vector<2000x128xf32> -> vector<2000x256xf32>
    %get3A_21 = arith.constant 0 : index
    %get3A_22 = arith.constant 0 : index
    %get3A_23 = vector.load %arg6[%get3A_21, %get3A_22] : memref<1x256xf32, #tpu.memory_space<vmem>>, vector<1x256xf32>
    %add3A_24 = vector.broadcast %get3A_23 : vector<1x256xf32> to vector<2000x256xf32>
    %add3A_25 = arith.addf %concatenate3A, %add3A_24 : vector<2000x256xf32>
    %swap3A = arith.constant 0 : index
    %swap3A_26 = arith.constant 0 : index
    %swap3A_27 = vector.load %arg7[%swap3A, %swap3A_26] : memref<2000x256xf32, #tpu.memory_space<vmem>>, vector<2000x256xf32>
    tpu.vector_store %arg7[%swap3A, %swap3A_26], %add3A_25 {strides = array<i32>} : memref<2000x256xf32, #tpu.memory_space<vmem>>, vector<2000x256xf32>,
    return
  }
  func.func @transform_0(%arg0: i32) -> (i32, i32) {
    %c0_i32 = arith.constant 0 : i32
    %c0_i32_0 = arith.constant 0 : i32
    return %arg0, %c0_i32 : i32, i32
  }
  func.func @transform_1(%arg0: i32) -> (i32, i32) {
    %add3A = arith.constant 5 : i32
    %add3A_0 = arith.addi %add3A, %arg0 : i32
    %c0_i32 = arith.constant 0 : i32
    %c0_i32_1 = arith.constant 0 : i32
    return %add3A_0, %c0_i32 : i32, i32
  }
  func.func @transform_2(%arg0: i32) -> (i32, i32) {
    %c0_i32 = arith.constant 0 : i32
    %c0_i32_0 = arith.constant 0 : i32
    return %arg0, %c0_i32 : i32, i32
  }
  func.func @transform_3(%arg0: i32) -> (i32, i32) {
    %add3A = arith.constant 5 : i32
    %add3A_0 = arith.addi %add3A, %arg0 : i32
    %c0_i32 = arith.constant 0 : i32
    %c0_i32_1 = arith.constant 0 : i32
    return %add3A_0, %c0_i32 : i32, i32
  }
  func.func @transform_4(%arg0: i32) -> (i32, i32) {
    %c0_i32 = arith.constant 0 : i32
    %c0_i32_0 = arith.constant 0 : i32
    return %arg0, %c0_i32 : i32, i32
  }
  func.func @transform_5(%arg0: i32) -> (i32, i32) {
    %c0_i32 = arith.constant 0 : i32
    %c0_i32_0 = arith.constant 0 : i32
    %c0_i32_1 = arith.constant 0 : i32
    return %c0_i32, %c0_i32_0 : i32, i32
  }
  func.func @transform_6(%arg0: i32) -> (i32, i32) {
    %c0_i32 = arith.constant 0 : i32
    %c0_i32_0 = arith.constant 0 : i32
    return %arg0, %c0_i32 : i32, i32
  }
}

</mosaic_0001>

<sc_bundles>
// kernel: kernel.11.cloned.1.call-start
scs
__scs_entry_jumppad:
0x0: {  	(pc) =	sbr.rel $0x88, $3  }
0x1: {  	(tag) =	ssettag $0x0;
	lr =	simm.s32 $0x1  }
0x2: {  	[smem:$0x3F9B] =	sst lr;
	_ =	strace $0xD0000000  }
0x3: {  	_ = 	snop  }
0x4: {  	_ = 	snop  }
0x5: {  	_ = 	snop  }
0x6: {  	_ = 	snop  }
0x7: {  	_ = 	snop  }
__scs_overlays_trampoline_lowered:
0x8: {  	[smem:$0x3FAA] =	sst s0  }
0x9: {  	[smem:$0x3FAB] =	sst s1  }
0xa: {  	[smem:$0x3FAC] =	sst s2  }
0xb: {  	[smem:$0x3FAD] =	sst s3  }
0xc: {  	[smem:$0x3FAE] =	sst s4  }
0xd: {  	[smem:$0x3FAF] =	sst s5  }
0xe: {  	[smem:$0x3FB0] =	sst s6  }
0xf: {  	[smem:$0x3FB1] =	sst s7  }
0x10: {  	[smem:$0x3FB2] =	sst s8  }
0x11: {  	[smem:$0x3FB3] =	sst s9;
	s0 =	simm.s32 @!p0 $0x0  }
0x12: {  	s1 =	sld [smem:$0x3F99];
	s0 =	simm.s32 @p0 $0x1  }
0x13: {  	[smem:$0x3FB4] =	sst s0;
	s0 =	simm.s32 @!p1 $0x0  }
0x14: {  	s2 =	sld [smem:$0x3F98];
	s0 =	simm.s32 @p1 $0x1  }
0x15: {  	[smem:$0x3FB5] =	sst s0;
	s0 =	simm.s32 @!p2 $0x0  }
0x16: {  	s3 =	sld [smem:$0x3FDB];
	s0 =	simm.s32 @p2 $0x1  }
0x17: {  	s4 =	simm.s32 $0x1BF5;
	[smem:$0x3FB7] =	sst s0  }
0x18: {  	s0 =	sld [smem:$0x3F9A];
	_ =	swait.ge [sflag:s4], $0x0  }
0x19: {  	s7 =	sld [smem:$0x3F9B]  }
0x1a: {  	s8 =	sadd.s32 $0xFFFFE003, lr  }
0x1b: {  	s9 =	sadd.s32 $0xFFFFFEF7, lr;
	s5 =	simm.s32 $0xFFFFFFFF;
	p2 =	slt.u32 s8, $0xFFFFF086  }
0x1c: {  	p1 =	slt.u32 s9, $0xF7A;
	s5 =	simm.s32 @!p2 $0x0  }
0x1d: {  	s5 =	simm.s32 @p1 $0x1;
	p0 =	seq.s32 s7, s2  }
0x1e: {  	s7 =	smul.u32 @!p0 $0xF7A, s2;
	p2 =	seq.s32 @!p0 s5, $0x0  }
0x1f: {  	s9 =	smul.u32 $0xF7A, s1;
	s8 =	simm.s32 @!p0 $0x1BF5;
	p2 =	por !p2, p0  }
0x20: {  	[sflag:s8] =	ssyncset.s32 @!p0 $0xFFFFF086;
	s6 =	sadd.s32 @!p0 s3, s7;
	s7 =	simm.s32 @!p0 $0x108  }
0x21: {  	s3 =	sadd.s32 s3, s9;
	s6 =	sadd.s32 @!p0 $0x88, s6;
	s7 =	simm.s32 @p2 $0x1082  }
0x22: {  	[simem:s7], [sflag:s8] =	dma.local @!p0 [hbm:s6], $0xF7A  }
0x23: {  	s9 =	sor.u32 $0xD0000000, s2;
	s6 =	simm.s32 $0x108;
	_ =	swait.ge @!p0 [sflag:s8], $0x0  }
0x24: {  	s3 =	sadd.s32 $0x88, s3;
	s6 =	simm.s32 @!p1 $0x1082;
	[sflag:s4] =	ssyncset.s32 $0xFFFFF086  }
0x25: {  	[simem:s6], [sflag:s4] =	dma.local [hbm:s3], $0xF7A  }
0x26: {  	[smem:$0x3F9B] =	sst s1;
	(tag) =	ssettag s2;
	_ =	strace s9  }
0x27: {  	s1 =	sld [smem:$0x3FAB]  }
0x28: {  	s2 =	sld [smem:$0x3FAC]  }
0x29: {  	s4 =	sld [smem:$0x3FAE]  }
0x2a: {  	p0 =	seq.s32 s5, $0x0;
	s5 =	sld [smem:$0x3FAF]  }
0x2b: {  	s6 =	sld [smem:$0x3FB0]  }
0x2c: {  	s7 =	sld [smem:$0x3FB1]  }
0x2d: {  	s3 =	simm.s32 $0x108;
	s8 =	sld [smem:$0x3FB2]  }
0x2e: {  	s3 =	simm.s32 @!p0 $0x1082;
	s9 =	sld [smem:$0x3FB3]  }
0x2f: {  	lr =	sadd.s32 s0, s3;
	s0 =	sld [smem:$0x3FAA]  }
0x30: {  	s3 =	sld [smem:$0x3FAD]  }
0x31: {  	[smem:$0x3FB6] =	sst s10  }
0x32: {  	s10 =	sld [smem:$0x3FB4];
	_ =	sdelay $0x3  }
0x33: {  	p0 =	seq.s32 s10, $0x1;
	s10 =	sld [smem:$0x3FB6];
	_ =	sdelay $0x3  }
0x34: {  	[smem:$0x3FB6] =	sst s10  }
0x35: {  	s10 =	sld [smem:$0x3FB5];
	_ =	sdelay $0x3  }
0x36: {  	p1 =	seq.s32 s10, $0x1;
	s10 =	sld [smem:$0x3FB6];
	_ =	sdelay $0x3  }
0x37: {  	[smem:$0x3FB6] =	sst s10  }
0x38: {  	s10 =	sld [smem:$0x3FB7]  }
0x39: {  	_ = 	snop;
	(pc) =	sbr.ind lr, $3  }
0x3a: {  	_ = 	snop  }
0x3b: {  	_ = 	snop  }
0x3c: {  	p2 =	seq.s32 s10, $0x1;
	s10 =	sld [smem:$0x3FB6]  }
0x3d: {  	_ =	shalt  }
0x3e: {  	_ =	shalt  }
0x3f: {  	_ =	shalt  }
0x40: {  	_ =	shalt  }
0x41: {  	_ =	shalt  }
0x42: {  	_ =	shalt  }
0x43: {  	_ =	shalt  }
0x44: {  	_ =	shalt  }
0x45: {  	_ =	shalt  }
0x46: {  	_ =	shalt  }
0x47: {  	_ =	shalt  }
0x48: {  	_ =	shalt  }
0x49: {  	_ =	shalt  }
0x4a: {  	_ =	shalt  }
0x4b: {  	_ =	shalt  }
0x4c: {  	_ =	shalt  }
0x4d: {  	_ =	shalt  }
0x4e: {  	_ =	shalt  }
0x4f: {  	_ =	shalt  }
0x50: {  	_ =	shalt  }
0x51: {  	_ =	shalt  }
0x52: {  	_ =	shalt  }
0x53: {  	_ =	shalt  }
0x54: {  	_ =	shalt  }
0x55: {  	_ =	shalt  }
0x56: {  	_ =	shalt  }
0x57: {  	_ =	shalt  }
0x58: {  	_ =	shalt  }
0x59: {  	_ =	shalt  }
0x5a: {  	_ =	shalt  }
0x5b: {  	_ =	shalt  }
0x5c: {  	_ =	shalt  }
0x5d: {  	_ =	shalt  }
0x5e: {  	_ =	shalt  }
0x5f: {  	_ =	shalt  }
0x60: {  	_ =	shalt  }
0x61: {  	_ =	shalt  }
0x62: {  	_ =	shalt  }
0x63: {  	_ =	shalt  }
0x64: {  	_ =	shalt  }
0x65: {  	_ =	shalt  }
0x66: {  	_ =	shalt  }
0x67: {  	_ =	shalt  }
0x68: {  	_ =	shalt  }
0x69: {  	_ =	shalt  }
0x6a: {  	_ =	shalt  }
0x6b: {  	_ =	shalt  }
0x6c: {  	_ =	shalt  }
0x6d: {  	_ =	shalt  }
0x6e: {  	_ =	shalt  }
0x6f: {  	_ =	shalt  }
0x70: {  	_ =	shalt  }
0x71: {  	_ =	shalt  }
0x72: {  	_ =	shalt  }
0x73: {  	_ =	shalt  }
0x74: {  	_ =	shalt  }
0x75: {  	_ =	shalt  }
0x76: {  	_ =	shalt  }
0x77: {  	_ =	shalt  }
0x78: {  	_ =	shalt  }
0x79: {  	_ =	shalt  }
0x7a: {  	_ =	shalt  }
0x7b: {  	_ =	shalt  }
0x7c: {  	_ =	shalt  }
0x7d: {  	_ =	shalt  }
0x7e: {  	_ =	shalt  }
0x7f: {  	_ =	shalt  }
0x80: {  	_ =	shalt  }
0x81: {  	_ =	shalt  }
0x82: {  	_ =	shalt  }
0x83: {  	_ =	shalt  }
0x84: {  	_ =	shalt  }
0x85: {  	_ =	shalt  }
0x86: {  	_ =	shalt  }
0x87: {  	_ =	shalt  }
.Lfunc_end0:
.L_simem_size_0:
called_computation.1_lowered:
.L_overlay_start_0:
0x88: {  	s2 =	sld [smem:$0x3FD9]  }
0x89: {  	s3 =	sld [smem:$0x3FFE];
	_ =	sdelay $0x1  }
0x8a: {  	s1 =	srdreg.scid  }
0x8b: {  	s0 =	sand.u32 $0x1, s1  }
0x8c: {  	s17 =	sshll.u32 s0, $0xA;
	s2 =	sadd.s32 s3, s2  }
0x8d: {  	s2 =	sadd.s32 s2, s17  }
0x8e: {  	[smem:$0x3FC2] =	sst s2  }
0x8f: {  	_ = 	snop  }
0x90: {  	s2 =	sld [smem:$0x3FD0];
	(tm) =	ssettm $0x1  }
0x91: {  	s18 =	sld [smem:$0x3FFB];
	_ =	sdelay $0x3  }
0x92: {  	_ =	strace s18  }
0x93: {  	s3 =	sld [smem:$0x3FFC];
	_ =	sdelay $0x3  }
0x94: {  	_ =	strace s3  }
0x95: {  	s3 =	sld [smem:$0x3FFD];
	_ =	sdelay $0x3  }
0x96: {  	_ =	strace s3  }
0x97: {  	_ =	strace $0x8FFFFFFF  }
0x98: {  	s19 =	sld [smem:$0x3FDB];
	_ =	sdelay $0x1  }
0x99: {  	s4 =	simm.s32 $_scs_section_size  }
0x9a: {  	s5 =	simm.s32 $_size__tile_overlayer_lowered;
	s6 =	simm.s32 $_tile_overlayer_lowered  }
0x9b: {  	s22 =	simm.s32 $0x1BFF;
	s21 =	sshll.u32 s6, $0x1;
	s3 =	sadd.s32 s4, s19  }
0x9c: {  	s7 =	simm.s32 $0x0;
	s20 =	sshll.u32 s5, $0x1;
	s5 =	sadd.s32 s21, s3  }
0x9d: {  	[timem:s7], [sflag:s22] =	dma.local [hbm:s5], s20  }
0x9e: {  	_ =	swait.ge [sflag:s22], s20  }
0x9f: {  	s4 =	ssub.s32 $0x0, s20;
	[sflag:s22] =	ssyncset.done $0x0  }
0xa0: {  	[sflag:s22] =	ssyncadd.s32 s4;
	_ =	sdelay $0x1  }
0xa1: {  	s23 =	simm.s32 $0x1B8B  }
0xa2: {  	_ =	swait.ge [sflag:s23], $0x1  }
0xa3: {  	[sflag:s23] =	ssyncset.done $0x0  }
0xa4: {  	s25 =	simm.s32 $0x1B8E;
	s24 =	sld [smem:$0x3FFE];
	[sflag:s23] =	ssyncadd.s32 $0xFFFFFFFF  }
0xa5: {  	s26 =	simm.s32 $execute0_lowered;
	[smem:$0x3FD2] =	sst s25  }
0xa6: {  	s5 =	sshll.u32 s26, $0x1;
	_ =	strace $0x80000049;
	[dreg:$0x1] =	wrdreg $0xFFFFFFFF  }
0xa7: {  	s28 =	simm.s32 $_size_execute0_lowered;
	s3 =	sadd.s32 s3, s5;
	[dreg:$0x0] =	wrdreg $0x0  }
0xa8: {  	s5 =	sshll.u32 s28, $0x1;
	[dreg:$0x2] =	wrdreg s3  }
0xa9: {  	[dreg:$0x3] =	wrdreg s5  }
0xaa: {  	[dreg:$0x4] =	wrdreg $0xC0  }
0xab: {  	_ =	task [dreg:s7], $0x5FFFF  }
0xac: {  	[dreg:$0x1] =	wrdreg $0xFFFFFFFF  }
0xad: {  	[dreg:$0x0] =	wrdreg $0x60  }
0xae: {  	[dreg:$0x2] =	wrdreg s2  }
0xaf: {  	[dreg:$0x3] =	wrdreg s24  }
0xb0: {  	[dreg:$0x4] =	wrdreg $0xA2000  }
0xb1: {  	[dreg:$0x5] =	wrdreg $0x9  }
0xb2: {  	_ =	task.clear_ibuf [dreg:s7], $0x6FFFF;
	_ =	strace $0x90000049  }
0xb3: {  	s29 =	simm.s32 $0x9;
	_ =	strace $0x8000004B  }
0xb4: {  	_ =	swait.ge [sflag:s29], $0x1  }
0xb5: {  	[sflag:s29] =	ssyncadd.s32 $0xFFFFFFFF  }
0xb6: {  	_ =	strace $0x9000004B  }
0xb7: {  	_ =	sfence  }
0xb8: {  	s30 =	sld [smem:$0x0];
	_ =	sdelay $0x2  }
0xb9: {  	s31 =	sshll.u32 s1, $0xD;
	s1 =	sshrl.u32 s1, $0x2  }
0xba: {  	s3 =	sand.u32 $0x4000, s31;
	s1 =	sadd.s32 s1, s30  }
0xbb: {  	s0 =	sor.u32 s3, s0;
	s1 =	sshll.u32 s1, $0x11  }
0xbc: {  	s0 =	sor.u32 s1, s0  }
0xbd: {  	s0 =	sadd.s32 $0x8F2B, s0  }
0xbe: {  	[sflag:s0] =	ssyncadd.remote.s32 $0x1  }
0xbf: {  	_ =	sfence.sel $0xFFFF  }
0xc0: {  	[dreg:$0x0] =	wrdreg $0xFFFFFFFF;
	(pc) =	sbr.abs _section_cstart, $3  }
0xc1: {  	[dreg:$0x1] =	wrdreg $0xFFFFFFFF  }
0xc2: {  	_ =	task.clear_ibuf [dreg:s7], $0x2FFFF;
	_ =	strace $0x9FFFFFFF  }
0xc3: {  	(tm) =	ssettm $0x7FFFFFFF  }
tec
execute0_lowered:
.L_overlay_start_1:
0x0: {  	(tag) =	ssettag $0x1  }
0x1: {  	s1 =	rddreg [dreg:$0x0]  }
0x2: {  	s6 =	rddreg [dreg:$0x1]  }
0x3: {  	s2 =	rddreg [dreg:$0x2]  }
0x4: {  	s4 =	simm.s32 $0x0;
	s3 =	srdreg.scid;
	s0 =	stileid.u32  }
0x5: {  	s20 =	simm.s32 $0x2;
	s21 =	simm.s32 $0x100;
	s22 =	simm.s32 $0x50  }
0x6: {  	s23 =	simm.s32 $0x200;
	s28 =	simm.s32 $0x2A00;
	s7 =	smul.u32 $0x4E000, s0  }
0x7: {  	s29 =	simm.s32 $0x0;
	[smem:$0x7FF] =	sst s4;
	s12 =	smul.u32 $0x2710, s0  }
0x8: {  	s10 =	sand.u32 $0x1, s3;
	s5 =	sadd.s32 $0x55600, s6;
	s18 =	smul.u32 $0x2700, s0  }
0x9: {  	s17 =	sadd.s32 $0x2400, s6;
	s14 =	sadd.s32 $0x5F400, s6;
	s26 =	smul.u32 $0x4E2, s0  }
0xa: {  	p0 =	sne.s32 s0, $0xF;
	s13 =	smul.u32 $0x27100, s10;
	s8 =	ssub.s32 $0x2, s10  }
0xb: {  	_ =	strace $0x8000004A;
	s19 =	smul.u32 $0x138800, s10;
	s24 =	sshrl.u32 s8, $0x1  }
0xc: {  	s10 =	sadd.s32 $0x138000, s2;
	s7 =	sshrl.u32 s7, $0x2;
	s15 =	ssub.s32 s8, s24  }
0xd: {  	s16 =	sadd.s32 s12, s13;
	s6 =	sadd.s32 s7, s2;
	s12 =	sshrl.u32 s12, $0x3  }
0xe: {  	s13 =	sadd.s32 s18, s13;
	s25 =	sshrl.u32 s19, $0x3;
	s19 =	simm.s32 $0x5200  }
0xf: {  	s24 =	simm.s32 $0x80;
	s7 =	sadd.s32 $0x4E00, s6;
	s8 =	sadd.s32 $0x9C00, s6  }
0x10: {  	s9 =	sadd.s32 $0xEA00, s6;
	s11 =	sshrl.u32 s16, $0x3;
	s12 =	sadd.s32 s17, s12  }
0x11: {  	s13 =	sadd.s32 s14, s13;
	s14 =	sadd.s32 s14, s25;
	s15 =	smax.u32 s15, $0x1  }
0x12: {  	s30 =	sadd.s32 $0x50, s16;
	s16 =	sadd.s32 $0xA0, s16;
	s17 =	sadd.s32 s26, s17  }
0x13: {  	s25 =	simm.s32 $0x180;
	s26 =	simm.s32 $0x1;
	s31 =	sshrl.u32 s30, $0x3  }
0x14: {  	v0 =	vimm.f32 $0.0e+00;
	s11 =	sadd.s32 s5, s11;
	s14 =	sadd.s32 $0x27000, s14;
	s18 =	sadd.s32 s31, s5  }
.LBB2_1:
0x15: {  	s30 =	simm.s32 $0x0;
	s31 =	simm.s32 $0x200  }
.LBB2_2:
0x16: {  	p1 =	sne.s32 s31, $0x13600;
	[tilespmem:s30+$0x5270] =	vst v0  }
0x17: {  	[tilespmem:s30+$0x5200] =	vst v0  }
0x18: {  	[tilespmem:s30+$0x5210] =	vst v0  }
.Ltmp0:
0x19: {  	[tilespmem:s30+$0x5220] =	vst v0;
	(pc) =	sbr.rel @p1 .LBB2_2-.Ltmp0, $4  }
0x1a: {  	[tilespmem:s30+$0x5230] =	vst v0  }
0x1b: {  	[tilespmem:s30+$0x5240] =	vst v0  }
0x1c: {  	[tilespmem:s30+$0x5250] =	vst v0  }
0x1d: {  	[tilespmem:s30+$0x5260] =	vst v0;
	s30 =	sshra.s32 s31, $0x2;
	s31 =	sadd.s32 $0x200, s31  }
0x1e: {  	[tilespmem:s30+$0x5270] =	vst v0  }
0x1f: {  	[tilespmem:s30+$0x5200] =	vst v0  }
0x20: {  	[tilespmem:s30+$0x5210] =	vst v0  }
0x21: {  	[tilespmem:s30+$0x5220] =	vst v0  }
0x22: {  	[tilespmem:s30+$0x5230] =	vst v0  }
0x23: {  	[tilespmem:s30+$0x5240] =	vst v0  }
0x24: {  	[tilespmem:s30+$0x5250] =	vst v0  }
0x25: {  	[tilespmem:s30+$0x5260] =	vst v0  }
0x26: {  	[spmem:s6] =	stream.linear.scatter [tilespmem:s19], [sflag:$0x2], $0x4E00, $0x38;
	[tilespmem:$0x1DA80] =	vst v63  }
0x27: {  	_ =	swait.ge [sflag:s20], $0x4E00  }
0x28: {  	[sflag:s20] =	ssyncset.done $0x0  }
0x29: {  	[sflag:s20] =	ssyncadd.s32 $0xFFFFB200  }
0x2a: {  	[spmem:s7] =	stream.linear.scatter [tilespmem:s19], [sflag:$0x2], $0x4E00, $0x38;
	[tilespmem:$0x1DA80] =	vst v63  }
0x2b: {  	_ =	swait.ge [sflag:s20], $0x4E00  }
0x2c: {  	[sflag:s20] =	ssyncset.done $0x0  }
0x2d: {  	[sflag:s20] =	ssyncadd.s32 $0xFFFFB200  }
0x2e: {  	[spmem:s8] =	stream.linear.scatter [tilespmem:s19], [sflag:$0x2], $0x4E00, $0x38;
	[tilespmem:$0x1DA80] =	vst v63  }
0x2f: {  	_ =	swait.ge [sflag:s20], $0x4E00  }
0x30: {  	[sflag:s20] =	ssyncset.done $0x0  }
0x31: {  	[sflag:s20] =	ssyncadd.s32 $0xFFFFB200  }
0x32: {  	[spmem:s9] =	stream.linear.scatter [tilespmem:s19], [sflag:$0x2], $0x4E00, $0x38;
	[tilespmem:$0x1DA80] =	vst v63  }
0x33: {  	_ =	swait.ge [sflag:s20], $0x4E00  }
0x34: {  	[sflag:s20] =	ssyncset.done $0x0  }
0x35: {  	s30 =	simm.s32 @!p0 $0x5200;
	[sflag:s20] =	ssyncadd.s32 $0xFFFFB200  }
0x36: {  	[spmem:s10] =	stream.linear.scatter @!p0 [tilespmem:s30], [sflag:$0x2], $0x800, $0x38;
	[tilespmem:$0x1DA80] =	vst v63  }
0x37: {  	s30 =	simm.s32 @!p0 $0x2  }
0x38: {  	_ =	swait.ge @!p0 [sflag:s30], $0x800  }
0x39: {  	[sflag:s30] =	ssyncset.done @!p0 $0x0  }
0x3a: {  	[sflag:s30] =	ssyncadd.s32 @!p0 $0xFFFFF800;
	s30 =	simm.s32 $0x0  }
0x3b: {  	[tilespmem:s30], [sflag:$0x2] =	stream.linear.gather [hbm4b:s11+s30], $0x50, $0x38;
	[tilespmem:$0x1DA80] =	vst v63  }
0x3c: {  	_ =	swait.ge [sflag:s20], $0x50  }
0x3d: {  	[sflag:s20] =	ssyncset.done $0x0  }
0x3e: {  	[sflag:s20] =	ssyncadd.s32 $0xFFFFFFB0  }
0x3f: {  	[tilespmem:s21], [sflag:$0x2] =	stream.linear.gather [hbm4b:s12+s30], $0x50, $0x38;
	[tilespmem:$0x1DA80] =	vst v63  }
0x40: {  	_ =	swait.ge [sflag:s20], $0x50  }
0x41: {  	[sflag:s20] =	ssyncset.done $0x0  }
0x42: {  	[sflag:s20] =	ssyncadd.s32 $0xFFFFFFB0  }
0x43: {  	[tilespmem:s23], [sflag:$0x1] =	stream.indirect.gather [hbm4b:s1+s22], $0x80, s30, s22, $0xb8;
	[tilespmem:$0x1DA80] =	vst v63  }
0x44: {  	s30 =	sadd.s32 $0x0, s18;
	[bflag:$0x0] =	sbarrier.arrive $0xFFFF  }
0x45: {  	[tilespmem:s24], [sflag:$0x2] =	stream.linear.gather [hbm4b:s30+s4], $0x50, $0x38;
	[tilespmem:$0x1DA80] =	vst v63  }
0x46: {  	_ =	swait.ge [sflag:s20], $0x50  }
0x47: {  	s30 =	sadd.s32 $0x0, s17;
	[sflag:s20] =	ssyncset.done $0x0  }
0x48: {  	s31 =	sadd.s32 $0xA, s30;
	[sflag:s20] =	ssyncadd.s32 $0xFFFFFFB0  }
0x49: {  	[tilespmem:s25], [sflag:$0x2] =	stream.linear.gather [hbm4b:s31+s4], $0x50, $0x38;
	[tilespmem:$0x1DA80] =	vst v63  }
0x4a: {  	_ =	swait.ge [sflag:s20], $0x50  }
0x4b: {  	[sflag:s20] =	ssyncset.done $0x0  }
0x4c: {  	[sflag:s20] =	ssyncadd.s32 $0xFFFFFFB0  }
0x4d: {  	_ =	swait.ge [sflag:s26], $0x2800  }
0x4e: {  	[sflag:s26] =	ssyncset.done $0x0  }
0x4f: {  	[sflag:s26] =	ssyncadd.s32 $0xFFFFD800  }
0x50: {  	[tilespmem:s28], [sflag:$0x1] =	stream.indirect.gather [hbm4b:s1+s22], $0x80, s24, s22, $0xb8;
	[tilespmem:$0x1DA80] =	vst v63  }
0x51: {  	_ = 	snop  }
0x52: {  	[spmem:s2] =	stream.indirect.scatter.add.f32 [tilespmem:s23], [sflag:$0x2], $0x80, s21, s22, $0xb8;
	[tilespmem:$0x1DA80] =	vst v63  }
0x53: {  	_ =	swait.ge [sflag:s20], $0x2800  }
0x54: {  	s31 =	sshrl.u32 s16, $0x3;
	[sflag:s20] =	ssyncset.done $0x0  }
0x55: {  	s31 =	sadd.s32 s5, s31;
	[sflag:s20] =	ssyncadd.s32 $0xFFFFD800  }
0x56: {  	[tilespmem:s4], [sflag:$0x2] =	stream.linear.gather [hbm4b:s31+s4], $0x50, $0x38;
	[tilespmem:$0x1DA80] =	vst v63  }
0x57: {  	_ =	swait.ge [sflag:s20], $0x50  }
0x58: {  	[sflag:s20] =	ssyncset.done $0x0  }
0x59: {  	s30 =	sadd.s32 $0x14, s30;
	[sflag:s20] =	ssyncadd.s32 $0xFFFFFFB0  }
0x5a: {  	[tilespmem:s21], [sflag:$0x2] =	stream.linear.gather [hbm4b:s30+s4], $0x50, $0x38;
	[tilespmem:$0x1DA80] =	vst v63  }
0x5b: {  	_ =	swait.ge [sflag:s20], $0x50  }
0x5c: {  	[sflag:s20] =	ssyncset.done $0x0  }
0x5d: {  	[sflag:s20] =	ssyncadd.s32 $0xFFFFFFB0  }
0x5e: {  	_ =	swait.ge [sflag:s26], $0x2800  }
0x5f: {  	[sflag:s26] =	ssyncset.done $0x0  }
0x60: {  	[sflag:s26] =	ssyncadd.s32 $0xFFFFD800  }
0x61: {  	[tilespmem:s23], [sflag:$0x1] =	stream.indirect.gather [hbm4b:s1+s22], $0x80, s4, s22, $0xb8;
	[tilespmem:$0x1DA80] =	vst v63  }
0x62: {  	_ = 	snop  }
0x63: {  	[spmem:s2] =	stream.indirect.scatter.add.f32 [tilespmem:s28], [sflag:$0x2], $0x80, s25, s22, $0xb8;
	[tilespmem:$0x1DA80] =	vst v63  }
0x64: {  	_ =	swait.ge [sflag:s20], $0x2800  }
0x65: {  	s31 =	smov.u32 s16;
	s30 =	simm.s32 $0x14;
	[sflag:s20] =	ssyncset.done $0x0  }
.LBB2_4:
0x66: {  	p1 =	sne.s32 s30, $0x4C4;
	[sflag:s20] =	ssyncadd.s32 $0xFFFFD800;
	s31 =	sadd.s32 $0xA0, s31  }
0x67: {  	s0 =	sadd.s32 s30, s18;
	s3 =	smov.u32 s30;
	s30 =	sadd.s32 $0x14, s30  }
0x68: {  	[tilespmem:s24], [sflag:$0x2] =	stream.linear.gather [hbm4b:s0+s4], $0x50, $0x38;
	[tilespmem:$0x1DA80] =	vst v63  }
0x69: {  	_ =	swait.ge [sflag:s20], $0x50  }
0x6a: {  	s0 =	sadd.s32 s3, s17;
	[sflag:s20] =	ssyncset.done $0x0  }
0x6b: {  	s3 =	sadd.s32 $0xA, s0;
	[sflag:s20] =	ssyncadd.s32 $0xFFFFFFB0  }
0x6c: {  	[tilespmem:s25], [sflag:$0x2] =	stream.linear.gather [hbm4b:s3+s4], $0x50, $0x38;
	[tilespmem:$0x1DA80] =	vst v63  }
0x6d: {  	_ =	swait.ge [sflag:s20], $0x50  }
0x6e: {  	[sflag:s20] =	ssyncset.done $0x0  }
0x6f: {  	[sflag:s20] =	ssyncadd.s32 $0xFFFFFFB0  }
0x70: {  	_ =	swait.ge [sflag:s26], $0x2800  }
0x71: {  	[sflag:s26] =	ssyncset.done $0x0  }
0x72: {  	[sflag:s26] =	ssyncadd.s32 $0xFFFFD800  }
0x73: {  	[tilespmem:s28], [sflag:$0x1] =	stream.indirect.gather [hbm4b:s1+s22], $0x80, s24, s22, $0xb8;
	[tilespmem:$0x1DA80] =	vst v63  }
0x74: {  	_ = 	snop  }
0x75: {  	[spmem:s2] =	stream.indirect.scatter.add.f32 [tilespmem:s23], [sflag:$0x2], $0x80, s21, s22, $0xb8;
	[tilespmem:$0x1DA80] =	vst v63  }
0x76: {  	_ =	swait.ge [sflag:s20], $0x2800  }
0x77: {  	s3 =	sshrl.u32 s31, $0x3;
	[sflag:s20] =	ssyncset.done $0x0  }
0x78: {  	s3 =	sadd.s32 s5, s3;
	[sflag:s20] =	ssyncadd.s32 $0xFFFFD800  }
0x79: {  	[tilespmem:s4], [sflag:$0x2] =	stream.linear.gather [hbm4b:s3+s4], $0x50, $0x38;
	[tilespmem:$0x1DA80] =	vst v63  }
0x7a: {  	_ =	swait.ge [sflag:s20], $0x50  }
0x7b: {  	[sflag:s20] =	ssyncset.done $0x0  }
0x7c: {  	s0 =	sadd.s32 $0x14, s0;
	[sflag:s20] =	ssyncadd.s32 $0xFFFFFFB0  }
0x7d: {  	[tilespmem:s21], [sflag:$0x2] =	stream.linear.gather [hbm4b:s0+s4], $0x50, $0x38;
	[tilespmem:$0x1DA80] =	vst v63  }
0x7e: {  	_ =	swait.ge [sflag:s20], $0x50  }
0x7f: {  	[sflag:s20] =	ssyncset.done $0x0  }
0x80: {  	[sflag:s20] =	ssyncadd.s32 $0xFFFFFFB0  }
0x81: {  	_ =	swait.ge [sflag:s26], $0x2800  }
0x82: {  	[sflag:s26] =	ssyncset.done $0x0  }
0x83: {  	[sflag:s26] =	ssyncadd.s32 $0xFFFFD800  }
0x84: {  	[tilespmem:s23], [sflag:$0x1] =	stream.indirect.gather [hbm4b:s1+s22], $0x80, s4, s22, $0xb8;
	[tilespmem:$0x1DA80] =	vst v63  }
.Ltmp1:
0x85: {  	_ = 	snop;
	(pc) =	sbr.rel @p1 .LBB2_4-.Ltmp1, $4  }
0x86: {  	_ = 	snop  }
0x87: {  	[spmem:s2] =	stream.indirect.scatter.add.f32 [tilespmem:s28], [sflag:$0x2], $0x80, s25, s22, $0xb8;
	[tilespmem:$0x1DA80] =	vst v63  }
0x88: {  	_ =	swait.ge [sflag:s20], $0x2800  }
0x89: {  	[sflag:s20] =	ssyncset.done $0x0  }
0x8a: {  	[sflag:s20] =	ssyncadd.s32 $0xFFFFD800  }
0x8b: {  	_ =	swait.ge [sflag:s26], $0x2800  }
0x8c: {  	[sflag:s26] =	ssyncset.done $0x0  }
0x8d: {  	[sflag:s26] =	ssyncadd.s32 $0xFFFFD800  }
0x8e: {  	[spmem:s2] =	stream.indirect.scatter.add.f32 [tilespmem:s23], [sflag:$0x2], $0x80, s21, s22, $0xb8;
	[tilespmem:$0x1DA80] =	vst v63  }
0x8f: {  	_ =	swait.ge [sflag:s20], $0x2800  }
0x90: {  	s0 =	stileid.u32;
	[sflag:s20] =	ssyncset.done $0x0  }
0x91: {  	s0 =	sshll.u32 s0, $0x6;
	[sflag:s20] =	ssyncadd.s32 $0xFFFFD800  }
0x92: {  	s3 =	sshrl.u32 s6, $0x3;
	s0 =	sor.u32 $0x1C02, s0;
	[bflag:$0x0] =	sbarrier.arrive $0xFFFF  }
0x93: {  	[hbm:s13], [sflag:s0] =	dma.local [spmem:s3], $0x2700  }
0x94: {  	_ =	swait.ge [sflag:s20], $0x2700  }
0x95: {  	s29 =	sadd.s32 $0x1, s29;
	[sflag:s20] =	ssyncset.done $0x0  }
0x96: {  	p1 =	sne.s32 s29, s15;
	s3 =	sshrl.u32 @!p0 s10, $0x3;
	[sflag:s20] =	ssyncadd.s32 $0xFFFFD900  }
0x97: {  	[hbm:s14], [sflag:s0] =	dma.local @!p0 [spmem:s3], $0x100  }
.Ltmp2:
0x98: {  	_ = 	snop;
	(pc) =	sbr.rel @p1 .LBB2_1-.Ltmp2, $4  }
0x99: {  	s0 =	simm.s32 @!p0 $0x2  }
0x9a: {  	_ =	swait.ge @!p0 [sflag:s0], $0x100  }
0x9b: {  	[sflag:s0] =	ssyncset.done @!p0 $0x0  }
0x9c: {  	[sflag:s0] =	ssyncadd.s32 @!p0 $0xFFFFFF00  }
0x9d: {  	_ =	sfence.sel $0x180000  }
0x9e: {  	[bflag:$0x0] =	sbarrier.arrive $0xFFFF  }
0x9f: {  	_ =	strace $0x9000004A  }
0xa0: {  	s0 =	stileid.u32;
	[bflag:$0x2] =	sbarrier.arrive $0xFFFF  }
0xa1: {  	p0 =	sne.s32 s0, $0x0;
	s0 =	rddreg [dreg:$0x3]  }
0xa2: {  	s0 =	sadd.s32 @!p0 $0x100000, s0  }
0xa3: {  	[sflag:s0] =	ssyncadd.tile.s32 @!p0 $0x1;
	_ =	shalt  }
.Lfunc_end2:
_tile_overlayer_lowered:
.L_overlay_start_2:
0xa4: {  	(tag) =	ssettag $0x2  }
0xa5: {  	s0 =	rddreg [dreg:$0x0];
	s2 =	stileid.u32  }
0xa6: {  	s1 =	rddreg [dreg:$0x1];
	p0 =	sne.s32 s2, $0x0  }
0xa7: {  	s3 =	rddreg [dreg:$0x2];
	[bflag:$0x3] =	sbarrier.arrive $0xFFFF;
	s2 =	simm.s32 @!p0 $0x1C02  }
0xa8: {  	[timem:s3], [sflag:s2] =	dma.local @!p0 [hbm:s0], s1  }
0xa9: {  	s0 =	simm.s32 @!p0 $0x2  }
0xaa: {  	_ =	swait.ge @!p0 [sflag:s0], s1  }
0xab: {  	s1 =	ssub.s32 @!p0 $0x0, s1;
	[sflag:s0] =	ssyncset.done @!p0 $0x0  }
0xac: {  	[sflag:s0] =	ssyncadd.s32 @!p0 s1  }
0xad: {  	[bflag:$0x3] =	sbarrier.arrive $0xFFFF  }
0xae: {  	_ =	shalt  }

// kernel: kernel.14.cloned.1.call-start
scs
__scs_entry_jumppad:
0x0: {  	(pc) =	sbr.rel $0x88, $3  }
0x1: {  	(tag) =	ssettag $0x0;
	lr =	simm.s32 $0x1  }
0x2: {  	[smem:$0x3F9B] =	sst lr;
	_ =	strace $0xD0000000  }
0x3: {  	_ = 	snop  }
0x4: {  	_ = 	snop  }
0x5: {  	_ = 	snop  }
0x6: {  	_ = 	snop  }
0x7: {  	_ = 	snop  }
__scs_overlays_trampoline_lowered:
0x8: {  	[smem:$0x3FAA] =	sst s0  }
0x9: {  	[smem:$0x3FAB] =	sst s1  }
0xa: {  	[smem:$0x3FAC] =	sst s2  }
0xb: {  	[smem:$0x3FAD] =	sst s3  }
0xc: {  	[smem:$0x3FAE] =	sst s4  }
0xd: {  	[smem:$0x3FAF] =	sst s5  }
0xe: {  	[smem:$0x3FB0] =	sst s6  }
0xf: {  	[smem:$0x3FB1] =	sst s7  }
0x10: {  	[smem:$0x3FB2] =	sst s8  }
0x11: {  	[smem:$0x3FB3] =	sst s9;
	s0 =	simm.s32 @!p0 $0x0  }
0x12: {  	s1 =	sld [smem:$0x3F99];
	s0 =	simm.s32 @p0 $0x1  }
0x13: {  	[smem:$0x3FB4] =	sst s0;
	s0 =	simm.s32 @!p1 $0x0  }
0x14: {  	s2 =	sld [smem:$0x3F98];
	s0 =	simm.s32 @p1 $0x1  }
0x15: {  	[smem:$0x3FB5] =	sst s0;
	s0 =	simm.s32 @!p2 $0x0  }
0x16: {  	s3 =	sld [smem:$0x3FDB];
	s0 =	simm.s32 @p2 $0x1  }
0x17: {  	s4 =	simm.s32 $0x1BF5;
	[smem:$0x3FB7] =	sst s0  }
0x18: {  	s0 =	sld [smem:$0x3F9A];
	_ =	swait.ge [sflag:s4], $0x0  }
0x19: {  	s7 =	sld [smem:$0x3F9B]  }
0x1a: {  	s8 =	sadd.s32 $0xFFFFE003, lr  }
0x1b: {  	s9 =	sadd.s32 $0xFFFFFEF7, lr;
	s5 =	simm.s32 $0xFFFFFFFF;
	p2 =	slt.u32 s8, $0xFFFFF086  }
0x1c: {  	p1 =	slt.u32 s9, $0xF7A;
	s5 =	simm.s32 @!p2 $0x0  }
0x1d: {  	s5 =	simm.s32 @p1 $0x1;
	p0 =	seq.s32 s7, s2  }
0x1e: {  	s7 =	smul.u32 @!p0 $0xF7A, s2;
	p2 =	seq.s32 @!p0 s5, $0x0  }
0x1f: {  	s9 =	smul.u32 $0xF7A, s1;
	s8 =	simm.s32 @!p0 $0x1BF5;
	p2 =	por !p2, p0  }
0x20: {  	[sflag:s8] =	ssyncset.s32 @!p0 $0xFFFFF086;
	s6 =	sadd.s32 @!p0 s3, s7;
	s7 =	simm.s32 @!p0 $0x108  }
0x21: {  	s3 =	sadd.s32 s3, s9;
	s6 =	sadd.s32 @!p0 $0x88, s6;
	s7 =	simm.s32 @p2 $0x1082  }
0x22: {  	[simem:s7], [sflag:s8] =	dma.local @!p0 [hbm:s6], $0xF7A  }
0x23: {  	s9 =	sor.u32 $0xD0000000, s2;
	s6 =	simm.s32 $0x108;
	_ =	swait.ge @!p0 [sflag:s8], $0x0  }
0x24: {  	s3 =	sadd.s32 $0x88, s3;
	s6 =	simm.s32 @!p1 $0x1082;
	[sflag:s4] =	ssyncset.s32 $0xFFFFF086  }
0x25: {  	[simem:s6], [sflag:s4] =	dma.local [hbm:s3], $0xF7A  }
0x26: {  	[smem:$0x3F9B] =	sst s1;
	(tag) =	ssettag s2;
	_ =	strace s9  }
0x27: {  	s1 =	sld [smem:$0x3FAB]  }
0x28: {  	s2 =	sld [smem:$0x3FAC]  }
0x29: {  	s4 =	sld [smem:$0x3FAE]  }
0x2a: {  	p0 =	seq.s32 s5, $0x0;
	s5 =	sld [smem:$0x3FAF]  }
0x2b: {  	s6 =	sld [smem:$0x3FB0]  }
0x2c: {  	s7 =	sld [smem:$0x3FB1]  }
0x2d: {  	s3 =	simm.s32 $0x108;
	s8 =	sld [smem:$0x3FB2]  }
0x2e: {  	s3 =	simm.s32 @!p0 $0x1082;
	s9 =	sld [smem:$0x3FB3]  }
0x2f: {  	lr =	sadd.s32 s0, s3;
	s0 =	sld [smem:$0x3FAA]  }
0x30: {  	s3 =	sld [smem:$0x3FAD]  }
0x31: {  	[smem:$0x3FB6] =	sst s10  }
0x32: {  	s10 =	sld [smem:$0x3FB4];
	_ =	sdelay $0x3  }
0x33: {  	p0 =	seq.s32 s10, $0x1;
	s10 =	sld [smem:$0x3FB6];
	_ =	sdelay $0x3  }
0x34: {  	[smem:$0x3FB6] =	sst s10  }
0x35: {  	s10 =	sld [smem:$0x3FB5];
	_ =	sdelay $0x3  }
0x36: {  	p1 =	seq.s32 s10, $0x1;
	s10 =	sld [smem:$0x3FB6];
	_ =	sdelay $0x3  }
0x37: {  	[smem:$0x3FB6] =	sst s10  }
0x38: {  	s10 =	sld [smem:$0x3FB7]  }
0x39: {  	_ = 	snop;
	(pc) =	sbr.ind lr, $3  }
0x3a: {  	_ = 	snop  }
0x3b: {  	_ = 	snop  }
0x3c: {  	p2 =	seq.s32 s10, $0x1;
	s10 =	sld [smem:$0x3FB6]  }
0x3d: {  	_ =	shalt  }
0x3e: {  	_ =	shalt  }
0x3f: {  	_ =	shalt  }
0x40: {  	_ =	shalt  }
0x41: {  	_ =	shalt  }
0x42: {  	_ =	shalt  }
0x43: {  	_ =	shalt  }
0x44: {  	_ =	shalt  }
0x45: {  	_ =	shalt  }
0x46: {  	_ =	shalt  }
0x47: {  	_ =	shalt  }
0x48: {  	_ =	shalt  }
0x49: {  	_ =	shalt  }
0x4a: {  	_ =	shalt  }
0x4b: {  	_ =	shalt  }
0x4c: {  	_ =	shalt  }
0x4d: {  	_ =	shalt  }
0x4e: {  	_ =	shalt  }
0x4f: {  	_ =	shalt  }
0x50: {  	_ =	shalt  }
0x51: {  	_ =	shalt  }
0x52: {  	_ =	shalt  }
0x53: {  	_ =	shalt  }
0x54: {  	_ =	shalt  }
0x55: {  	_ =	shalt  }
0x56: {  	_ =	shalt  }
0x57: {  	_ =	shalt  }
0x58: {  	_ =	shalt  }
0x59: {  	_ =	shalt  }
0x5a: {  	_ =	shalt  }
0x5b: {  	_ =	shalt  }
0x5c: {  	_ =	shalt  }
0x5d: {  	_ =	shalt  }
0x5e: {  	_ =	shalt  }
0x5f: {  	_ =	shalt  }
0x60: {  	_ =	shalt  }
0x61: {  	_ =	shalt  }
0x62: {  	_ =	shalt  }
0x63: {  	_ =	shalt  }
0x64: {  	_ =	shalt  }
0x65: {  	_ =	shalt  }
0x66: {  	_ =	shalt  }
0x67: {  	_ =	shalt  }
0x68: {  	_ =	shalt  }
0x69: {  	_ =	shalt  }
0x6a: {  	_ =	shalt  }
0x6b: {  	_ =	shalt  }
0x6c: {  	_ =	shalt  }
0x6d: {  	_ =	shalt  }
0x6e: {  	_ =	shalt  }
0x6f: {  	_ =	shalt  }
0x70: {  	_ =	shalt  }
0x71: {  	_ =	shalt  }
0x72: {  	_ =	shalt  }
0x73: {  	_ =	shalt  }
0x74: {  	_ =	shalt  }
0x75: {  	_ =	shalt  }
0x76: {  	_ =	shalt  }
0x77: {  	_ =	shalt  }
0x78: {  	_ =	shalt  }
0x79: {  	_ =	shalt  }
0x7a: {  	_ =	shalt  }
0x7b: {  	_ =	shalt  }
0x7c: {  	_ =	shalt  }
0x7d: {  	_ =	shalt  }
0x7e: {  	_ =	shalt  }
0x7f: {  	_ =	shalt  }
0x80: {  	_ =	shalt  }
0x81: {  	_ =	shalt  }
0x82: {  	_ =	shalt  }
0x83: {  	_ =	shalt  }
0x84: {  	_ =	shalt  }
0x85: {  	_ =	shalt  }
0x86: {  	_ =	shalt  }
0x87: {  	_ =	shalt  }
.Lfunc_end0:
.L_simem_size_0:
called_computation.2_lowered:
.L_overlay_start_0:
0x88: {  	s2 =	sld [smem:$0x3FD9]  }
0x89: {  	s3 =	sld [smem:$0x3FFE];
	_ =	sdelay $0x1  }
0x8a: {  	s1 =	srdreg.scid  }
0x8b: {  	s0 =	sand.u32 $0x1, s1  }
0x8c: {  	s17 =	sshll.u32 s0, $0xA;
	s2 =	sadd.s32 s3, s2  }
0x8d: {  	s2 =	sadd.s32 s2, s17  }
0x8e: {  	[smem:$0x3FC2] =	sst s2  }
0x8f: {  	_ = 	snop  }
0x90: {  	s2 =	sld [smem:$0x3FD0];
	(tm) =	ssettm $0x1  }
0x91: {  	s18 =	sld [smem:$0x3FFB];
	_ =	sdelay $0x3  }
0x92: {  	_ =	strace s18  }
0x93: {  	s3 =	sld [smem:$0x3FFC];
	_ =	sdelay $0x3  }
0x94: {  	_ =	strace s3  }
0x95: {  	s3 =	sld [smem:$0x3FFD];
	_ =	sdelay $0x3  }
0x96: {  	_ =	strace s3  }
0x97: {  	_ =	strace $0x8FFFFFFF  }
0x98: {  	s19 =	sld [smem:$0x3FDB];
	_ =	sdelay $0x1  }
0x99: {  	s4 =	simm.s32 $_scs_section_size  }
0x9a: {  	s5 =	simm.s32 $_size__tile_overlayer_lowered;
	s6 =	simm.s32 $_tile_overlayer_lowered  }
0x9b: {  	s22 =	simm.s32 $0x1BFF;
	s21 =	sshll.u32 s6, $0x1;
	s3 =	sadd.s32 s4, s19  }
0x9c: {  	s7 =	simm.s32 $0x0;
	s20 =	sshll.u32 s5, $0x1;
	s5 =	sadd.s32 s21, s3  }
0x9d: {  	[timem:s7], [sflag:s22] =	dma.local [hbm:s5], s20  }
0x9e: {  	_ =	swait.ge [sflag:s22], s20  }
0x9f: {  	s4 =	ssub.s32 $0x0, s20;
	[sflag:s22] =	ssyncset.done $0x0  }
0xa0: {  	[sflag:s22] =	ssyncadd.s32 s4;
	_ =	sdelay $0x1  }
0xa1: {  	s23 =	simm.s32 $0x1B8B  }
0xa2: {  	_ =	swait.ge [sflag:s23], $0x1  }
0xa3: {  	[sflag:s23] =	ssyncset.done $0x0  }
0xa4: {  	s25 =	simm.s32 $0x1B8E;
	s24 =	sld [smem:$0x3FFE];
	[sflag:s23] =	ssyncadd.s32 $0xFFFFFFFF  }
0xa5: {  	s26 =	simm.s32 $execute0_lowered;
	[smem:$0x3FD2] =	sst s25  }
0xa6: {  	s5 =	sshll.u32 s26, $0x1;
	_ =	strace $0x8000004C;
	[dreg:$0x1] =	wrdreg $0xFFFFFFFF  }
0xa7: {  	s28 =	simm.s32 $_size_execute0_lowered;
	s3 =	sadd.s32 s3, s5;
	[dreg:$0x0] =	wrdreg $0x0  }
0xa8: {  	s5 =	sshll.u32 s28, $0x1;
	[dreg:$0x2] =	wrdreg s3  }
0xa9: {  	[dreg:$0x3] =	wrdreg s5  }
0xaa: {  	[dreg:$0x4] =	wrdreg $0xC0  }
0xab: {  	_ =	task [dreg:s7], $0x5FFFF  }
0xac: {  	[dreg:$0x1] =	wrdreg $0xFFFFFFFF  }
0xad: {  	[dreg:$0x0] =	wrdreg $0x60  }
0xae: {  	[dreg:$0x2] =	wrdreg s2  }
0xaf: {  	[dreg:$0x3] =	wrdreg s24  }
0xb0: {  	[dreg:$0x4] =	wrdreg $0xA2000  }
0xb1: {  	[dreg:$0x5] =	wrdreg $0x9  }
0xb2: {  	_ =	task.clear_ibuf [dreg:s7], $0x6FFFF;
	_ =	strace $0x9000004C  }
0xb3: {  	s29 =	simm.s32 $0x9;
	_ =	strace $0x8000004E  }
0xb4: {  	_ =	swait.ge [sflag:s29], $0x1  }
0xb5: {  	[sflag:s29] =	ssyncadd.s32 $0xFFFFFFFF  }
0xb6: {  	_ =	strace $0x9000004E  }
0xb7: {  	_ =	sfence  }
0xb8: {  	s30 =	sld [smem:$0x0];
	_ =	sdelay $0x2  }
0xb9: {  	s31 =	sshll.u32 s1, $0xD;
	s1 =	sshrl.u32 s1, $0x2  }
0xba: {  	s3 =	sand.u32 $0x4000, s31;
	s1 =	sadd.s32 s1, s30  }
0xbb: {  	s0 =	sor.u32 s3, s0;
	s1 =	sshll.u32 s1, $0x11  }
0xbc: {  	s0 =	sor.u32 s1, s0  }
0xbd: {  	s0 =	sadd.s32 $0x8F2B, s0  }
0xbe: {  	[sflag:s0] =	ssyncadd.remote.s32 $0x1  }
0xbf: {  	_ =	sfence.sel $0xFFFF  }
0xc0: {  	[dreg:$0x0] =	wrdreg $0xFFFFFFFF;
	(pc) =	sbr.abs _section_cstart, $3  }
0xc1: {  	[dreg:$0x1] =	wrdreg $0xFFFFFFFF  }
0xc2: {  	_ =	task.clear_ibuf [dreg:s7], $0x2FFFF;
	_ =	strace $0x9FFFFFFF  }
0xc3: {  	(tm) =	ssettm $0x7FFFFFFF  }
tec
execute0_lowered:
.L_overlay_start_1:
0x0: {  	(tag) =	ssettag $0x1  }
0x1: {  	s1 =	rddreg [dreg:$0x0]  }
0x2: {  	s6 =	rddreg [dreg:$0x1]  }
0x3: {  	s2 =	rddreg [dreg:$0x2]  }
0x4: {  	s4 =	simm.s32 $0x0;
	s3 =	srdreg.scid;
	s0 =	stileid.u32  }
0x5: {  	s20 =	simm.s32 $0x2;
	s21 =	simm.s32 $0x100;
	s22 =	simm.s32 $0x50  }
0x6: {  	s23 =	simm.s32 $0x200;
	s28 =	simm.s32 $0x2A00;
	s7 =	smul.u32 $0x4E000, s0  }
0x7: {  	s29 =	simm.s32 $0x0;
	[smem:$0x7FF] =	sst s4;
	s12 =	smul.u32 $0x2710, s0  }
0x8: {  	s10 =	sand.u32 $0x1, s3;
	s5 =	sadd.s32 $0x55600, s6;
	s18 =	smul.u32 $0x2700, s0  }
0x9: {  	s17 =	sadd.s32 $0x2400, s6;
	s14 =	sadd.s32 $0x5F400, s6;
	s26 =	smul.u32 $0x4E2, s0  }
0xa: {  	p0 =	sne.s32 s0, $0xF;
	s13 =	smul.u32 $0x27100, s10;
	s8 =	ssub.s32 $0x2, s10  }
0xb: {  	_ =	strace $0x8000004D;
	s19 =	smul.u32 $0x138800, s10;
	s24 =	sshrl.u32 s8, $0x1  }
0xc: {  	s10 =	sadd.s32 $0x138000, s2;
	s7 =	sshrl.u32 s7, $0x2;
	s15 =	ssub.s32 s8, s24  }
0xd: {  	s16 =	sadd.s32 s12, s13;
	s6 =	sadd.s32 s7, s2;
	s12 =	sshrl.u32 s12, $0x3  }
0xe: {  	s13 =	sadd.s32 s18, s13;
	s25 =	sshrl.u32 s19, $0x3;
	s19 =	simm.s32 $0x5200  }
0xf: {  	s24 =	simm.s32 $0x80;
	s7 =	sadd.s32 $0x4E00, s6;
	s8 =	sadd.s32 $0x9C00, s6  }
0x10: {  	s9 =	sadd.s32 $0xEA00, s6;
	s11 =	sshrl.u32 s16, $0x3;
	s12 =	sadd.s32 s17, s12  }
0x11: {  	s13 =	sadd.s32 s14, s13;
	s14 =	sadd.s32 s14, s25;
	s15 =	smax.u32 s15, $0x1  }
0x12: {  	s30 =	sadd.s32 $0x50, s16;
	s16 =	sadd.s32 $0xA0, s16;
	s17 =	sadd.s32 s26, s17  }
0x13: {  	s25 =	simm.s32 $0x180;
	s26 =	simm.s32 $0x1;
	s31 =	sshrl.u32 s30, $0x3  }
0x14: {  	v0 =	vimm.f32 $0.0e+00;
	s11 =	sadd.s32 s5, s11;
	s14 =	sadd.s32 $0x27000, s14;
	s18 =	sadd.s32 s31, s5  }
.LBB2_1:
0x15: {  	s30 =	simm.s32 $0x0;
	s31 =	simm.s32 $0x200  }
.LBB2_2:
0x16: {  	p1 =	sne.s32 s31, $0x13600;
	[tilespmem:s30+$0x5270] =	vst v0  }
0x17: {  	[tilespmem:s30+$0x5200] =	vst v0  }
0x18: {  	[tilespmem:s30+$0x5210] =	vst v0  }
.Ltmp0:
0x19: {  	[tilespmem:s30+$0x5220] =	vst v0;
	(pc) =	sbr.rel @p1 .LBB2_2-.Ltmp0, $4  }
0x1a: {  	[tilespmem:s30+$0x5230] =	vst v0  }
0x1b: {  	[tilespmem:s30+$0x5240] =	vst v0  }
0x1c: {  	[tilespmem:s30+$0x5250] =	vst v0  }
0x1d: {  	[tilespmem:s30+$0x5260] =	vst v0;
	s30 =	sshra.s32 s31, $0x2;
	s31 =	sadd.s32 $0x200, s31  }
0x1e: {  	[tilespmem:s30+$0x5270] =	vst v0  }
0x1f: {  	[tilespmem:s30+$0x5200] =	vst v0  }
0x20: {  	[tilespmem:s30+$0x5210] =	vst v0  }
0x21: {  	[tilespmem:s30+$0x5220] =	vst v0  }
0x22: {  	[tilespmem:s30+$0x5230] =	vst v0  }
0x23: {  	[tilespmem:s30+$0x5240] =	vst v0  }
0x24: {  	[tilespmem:s30+$0x5250] =	vst v0  }
0x25: {  	[tilespmem:s30+$0x5260] =	vst v0  }
0x26: {  	[spmem:s6] =	stream.linear.scatter [tilespmem:s19], [sflag:$0x2], $0x4E00, $0x38;
	[tilespmem:$0x1DA80] =	vst v63  }
0x27: {  	_ =	swait.ge [sflag:s20], $0x4E00  }
0x28: {  	[sflag:s20] =	ssyncset.done $0x0  }
0x29: {  	[sflag:s20] =	ssyncadd.s32 $0xFFFFB200  }
0x2a: {  	[spmem:s7] =	stream.linear.scatter [tilespmem:s19], [sflag:$0x2], $0x4E00, $0x38;
	[tilespmem:$0x1DA80] =	vst v63  }
0x2b: {  	_ =	swait.ge [sflag:s20], $0x4E00  }
0x2c: {  	[sflag:s20] =	ssyncset.done $0x0  }
0x2d: {  	[sflag:s20] =	ssyncadd.s32 $0xFFFFB200  }
0x2e: {  	[spmem:s8] =	stream.linear.scatter [tilespmem:s19], [sflag:$0x2], $0x4E00, $0x38;
	[tilespmem:$0x1DA80] =	vst v63  }
0x2f: {  	_ =	swait.ge [sflag:s20], $0x4E00  }
0x30: {  	[sflag:s20] =	ssyncset.done $0x0  }
0x31: {  	[sflag:s20] =	ssyncadd.s32 $0xFFFFB200  }
0x32: {  	[spmem:s9] =	stream.linear.scatter [tilespmem:s19], [sflag:$0x2], $0x4E00, $0x38;
	[tilespmem:$0x1DA80] =	vst v63  }
0x33: {  	_ =	swait.ge [sflag:s20], $0x4E00  }
0x34: {  	[sflag:s20] =	ssyncset.done $0x0  }
0x35: {  	s30 =	simm.s32 @!p0 $0x5200;
	[sflag:s20] =	ssyncadd.s32 $0xFFFFB200  }
0x36: {  	[spmem:s10] =	stream.linear.scatter @!p0 [tilespmem:s30], [sflag:$0x2], $0x800, $0x38;
	[tilespmem:$0x1DA80] =	vst v63  }
0x37: {  	s30 =	simm.s32 @!p0 $0x2  }
0x38: {  	_ =	swait.ge @!p0 [sflag:s30], $0x800  }
0x39: {  	[sflag:s30] =	ssyncset.done @!p0 $0x0  }
0x3a: {  	[sflag:s30] =	ssyncadd.s32 @!p0 $0xFFFFF800;
	s30 =	simm.s32 $0x0  }
0x3b: {  	[tilespmem:s30], [sflag:$0x2] =	stream.linear.gather [hbm4b:s11+s30], $0x50, $0x38;
	[tilespmem:$0x1DA80] =	vst v63  }
0x3c: {  	_ =	swait.ge [sflag:s20], $0x50  }
0x3d: {  	[sflag:s20] =	ssyncset.done $0x0  }
0x3e: {  	[sflag:s20] =	ssyncadd.s32 $0xFFFFFFB0  }
0x3f: {  	[tilespmem:s21], [sflag:$0x2] =	stream.linear.gather [hbm4b:s12+s30], $0x50, $0x38;
	[tilespmem:$0x1DA80] =	vst v63  }
0x40: {  	_ =	swait.ge [sflag:s20], $0x50  }
0x41: {  	[sflag:s20] =	ssyncset.done $0x0  }
0x42: {  	[sflag:s20] =	ssyncadd.s32 $0xFFFFFFB0  }
0x43: {  	[tilespmem:s23], [sflag:$0x1] =	stream.indirect.gather [hbm4b:s1+s22], $0x80, s30, s22, $0xb8;
	[tilespmem:$0x1DA80] =	vst v63  }
0x44: {  	s30 =	sadd.s32 $0x0, s18;
	[bflag:$0x0] =	sbarrier.arrive $0xFFFF  }
0x45: {  	[tilespmem:s24], [sflag:$0x2] =	stream.linear.gather [hbm4b:s30+s4], $0x50, $0x38;
	[tilespmem:$0x1DA80] =	vst v63  }
0x46: {  	_ =	swait.ge [sflag:s20], $0x50  }
0x47: {  	s30 =	sadd.s32 $0x0, s17;
	[sflag:s20] =	ssyncset.done $0x0  }
0x48: {  	s31 =	sadd.s32 $0xA, s30;
	[sflag:s20] =	ssyncadd.s32 $0xFFFFFFB0  }
0x49: {  	[tilespmem:s25], [sflag:$0x2] =	stream.linear.gather [hbm4b:s31+s4], $0x50, $0x38;
	[tilespmem:$0x1DA80] =	vst v63  }
0x4a: {  	_ =	swait.ge [sflag:s20], $0x50  }
0x4b: {  	[sflag:s20] =	ssyncset.done $0x0  }
0x4c: {  	[sflag:s20] =	ssyncadd.s32 $0xFFFFFFB0  }
0x4d: {  	_ =	swait.ge [sflag:s26], $0x2800  }
0x4e: {  	[sflag:s26] =	ssyncset.done $0x0  }
0x4f: {  	[sflag:s26] =	ssyncadd.s32 $0xFFFFD800  }
0x50: {  	[tilespmem:s28], [sflag:$0x1] =	stream.indirect.gather [hbm4b:s1+s22], $0x80, s24, s22, $0xb8;
	[tilespmem:$0x1DA80] =	vst v63  }
0x51: {  	_ = 	snop  }
0x52: {  	[spmem:s2] =	stream.indirect.scatter.add.f32 [tilespmem:s23], [sflag:$0x2], $0x80, s21, s22, $0xb8;
	[tilespmem:$0x1DA80] =	vst v63  }
0x53: {  	_ =	swait.ge [sflag:s20], $0x2800  }
0x54: {  	s31 =	sshrl.u32 s16, $0x3;
	[sflag:s20] =	ssyncset.done $0x0  }
0x55: {  	s31 =	sadd.s32 s5, s31;
	[sflag:s20] =	ssyncadd.s32 $0xFFFFD800  }
0x56: {  	[tilespmem:s4], [sflag:$0x2] =	stream.linear.gather [hbm4b:s31+s4], $0x50, $0x38;
	[tilespmem:$0x1DA80] =	vst v63  }
0x57: {  	_ =	swait.ge [sflag:s20], $0x50  }
0x58: {  	[sflag:s20] =	ssyncset.done $0x0  }
0x59: {  	s30 =	sadd.s32 $0x14, s30;
	[sflag:s20] =	ssyncadd.s32 $0xFFFFFFB0  }
0x5a: {  	[tilespmem:s21], [sflag:$0x2] =	stream.linear.gather [hbm4b:s30+s4], $0x50, $0x38;
	[tilespmem:$0x1DA80] =	vst v63  }
0x5b: {  	_ =	swait.ge [sflag:s20], $0x50  }
0x5c: {  	[sflag:s20] =	ssyncset.done $0x0  }
0x5d: {  	[sflag:s20] =	ssyncadd.s32 $0xFFFFFFB0  }
0x5e: {  	_ =	swait.ge [sflag:s26], $0x2800  }
0x5f: {  	[sflag:s26] =	ssyncset.done $0x0  }
0x60: {  	[sflag:s26] =	ssyncadd.s32 $0xFFFFD800  }
0x61: {  	[tilespmem:s23], [sflag:$0x1] =	stream.indirect.gather [hbm4b:s1+s22], $0x80, s4, s22, $0xb8;
	[tilespmem:$0x1DA80] =	vst v63  }
0x62: {  	_ = 	snop  }
0x63: {  	[spmem:s2] =	stream.indirect.scatter.add.f32 [tilespmem:s28], [sflag:$0x2], $0x80, s25, s22, $0xb8;
	[tilespmem:$0x1DA80] =	vst v63  }
0x64: {  	_ =	swait.ge [sflag:s20], $0x2800  }
0x65: {  	s31 =	smov.u32 s16;
	s30 =	simm.s32 $0x14;
	[sflag:s20] =	ssyncset.done $0x0  }
.LBB2_4:
0x66: {  	p1 =	sne.s32 s30, $0x4C4;
	[sflag:s20] =	ssyncadd.s32 $0xFFFFD800;
	s31 =	sadd.s32 $0xA0, s31  }
0x67: {  	s0 =	sadd.s32 s30, s18;
	s3 =	smov.u32 s30;
	s30 =	sadd.s32 $0x14, s30  }
0x68: {  	[tilespmem:s24], [sflag:$0x2] =	stream.linear.gather [hbm4b:s0+s4], $0x50, $0x38;
	[tilespmem:$0x1DA80] =	vst v63  }
0x69: {  	_ =	swait.ge [sflag:s20], $0x50  }
0x6a: {  	s0 =	sadd.s32 s3, s17;
	[sflag:s20] =	ssyncset.done $0x0  }
0x6b: {  	s3 =	sadd.s32 $0xA, s0;
	[sflag:s20] =	ssyncadd.s32 $0xFFFFFFB0  }
0x6c: {  	[tilespmem:s25], [sflag:$0x2] =	stream.linear.gather [hbm4b:s3+s4], $0x50, $0x38;
	[tilespmem:$0x1DA80] =	vst v63  }
0x6d: {  	_ =	swait.ge [sflag:s20], $0x50  }
0x6e: {  	[sflag:s20] =	ssyncset.done $0x0  }
0x6f: {  	[sflag:s20] =	ssyncadd.s32 $0xFFFFFFB0  }
0x70: {  	_ =	swait.ge [sflag:s26], $0x2800  }
0x71: {  	[sflag:s26] =	ssyncset.done $0x0  }
0x72: {  	[sflag:s26] =	ssyncadd.s32 $0xFFFFD800  }
0x73: {  	[tilespmem:s28], [sflag:$0x1] =	stream.indirect.gather [hbm4b:s1+s22], $0x80, s24, s22, $0xb8;
	[tilespmem:$0x1DA80] =	vst v63  }
0x74: {  	_ = 	snop  }
0x75: {  	[spmem:s2] =	stream.indirect.scatter.add.f32 [tilespmem:s23], [sflag:$0x2], $0x80, s21, s22, $0xb8;
	[tilespmem:$0x1DA80] =	vst v63  }
0x76: {  	_ =	swait.ge [sflag:s20], $0x2800  }
0x77: {  	s3 =	sshrl.u32 s31, $0x3;
	[sflag:s20] =	ssyncset.done $0x0  }
0x78: {  	s3 =	sadd.s32 s5, s3;
	[sflag:s20] =	ssyncadd.s32 $0xFFFFD800  }
0x79: {  	[tilespmem:s4], [sflag:$0x2] =	stream.linear.gather [hbm4b:s3+s4], $0x50, $0x38;
	[tilespmem:$0x1DA80] =	vst v63  }
0x7a: {  	_ =	swait.ge [sflag:s20], $0x50  }
0x7b: {  	[sflag:s20] =	ssyncset.done $0x0  }
0x7c: {  	s0 =	sadd.s32 $0x14, s0;
	[sflag:s20] =	ssyncadd.s32 $0xFFFFFFB0  }
0x7d: {  	[tilespmem:s21], [sflag:$0x2] =	stream.linear.gather [hbm4b:s0+s4], $0x50, $0x38;
	[tilespmem:$0x1DA80] =	vst v63  }
0x7e: {  	_ =	swait.ge [sflag:s20], $0x50  }
0x7f: {  	[sflag:s20] =	ssyncset.done $0x0  }
0x80: {  	[sflag:s20] =	ssyncadd.s32 $0xFFFFFFB0  }
0x81: {  	_ =	swait.ge [sflag:s26], $0x2800  }
0x82: {  	[sflag:s26] =	ssyncset.done $0x0  }
0x83: {  	[sflag:s26] =	ssyncadd.s32 $0xFFFFD800  }
0x84: {  	[tilespmem:s23], [sflag:$0x1] =	stream.indirect.gather [hbm4b:s1+s22], $0x80, s4, s22, $0xb8;
	[tilespmem:$0x1DA80] =	vst v63  }
.Ltmp1:
0x85: {  	_ = 	snop;
	(pc) =	sbr.rel @p1 .LBB2_4-.Ltmp1, $4  }
0x86: {  	_ = 	snop  }
0x87: {  	[spmem:s2] =	stream.indirect.scatter.add.f32 [tilespmem:s28], [sflag:$0x2], $0x80, s25, s22, $0xb8;
	[tilespmem:$0x1DA80] =	vst v63  }
0x88: {  	_ =	swait.ge [sflag:s20], $0x2800  }
0x89: {  	[sflag:s20] =	ssyncset.done $0x0  }
0x8a: {  	[sflag:s20] =	ssyncadd.s32 $0xFFFFD800  }
0x8b: {  	_ =	swait.ge [sflag:s26], $0x2800  }
0x8c: {  	[sflag:s26] =	ssyncset.done $0x0  }
0x8d: {  	[sflag:s26] =	ssyncadd.s32 $0xFFFFD800  }
0x8e: {  	[spmem:s2] =	stream.indirect.scatter.add.f32 [tilespmem:s23], [sflag:$0x2], $0x80, s21, s22, $0xb8;
	[tilespmem:$0x1DA80] =	vst v63  }
0x8f: {  	_ =	swait.ge [sflag:s20], $0x2800  }
0x90: {  	s0 =	stileid.u32;
	[sflag:s20] =	ssyncset.done $0x0  }
0x91: {  	s0 =	sshll.u32 s0, $0x6;
	[sflag:s20] =	ssyncadd.s32 $0xFFFFD800  }
0x92: {  	s3 =	sshrl.u32 s6, $0x3;
	s0 =	sor.u32 $0x1C02, s0;
	[bflag:$0x0] =	sbarrier.arrive $0xFFFF  }
0x93: {  	[hbm:s13], [sflag:s0] =	dma.local [spmem:s3], $0x2700  }
0x94: {  	_ =	swait.ge [sflag:s20], $0x2700  }
0x95: {  	s29 =	sadd.s32 $0x1, s29;
	[sflag:s20] =	ssyncset.done $0x0  }
0x96: {  	p1 =	sne.s32 s29, s15;
	s3 =	sshrl.u32 @!p0 s10, $0x3;
	[sflag:s20] =	ssyncadd.s32 $0xFFFFD900  }
0x97: {  	[hbm:s14], [sflag:s0] =	dma.local @!p0 [spmem:s3], $0x100  }
.Ltmp2:
0x98: {  	_ = 	snop;
	(pc) =	sbr.rel @p1 .LBB2_1-.Ltmp2, $4  }
0x99: {  	s0 =	simm.s32 @!p0 $0x2  }
0x9a: {  	_ =	swait.ge @!p0 [sflag:s0], $0x100  }
0x9b: {  	[sflag:s0] =	ssyncset.done @!p0 $0x0  }
0x9c: {  	[sflag:s0] =	ssyncadd.s32 @!p0 $0xFFFFFF00  }
0x9d: {  	_ =	sfence.sel $0x180000  }
0x9e: {  	[bflag:$0x0] =	sbarrier.arrive $0xFFFF  }
0x9f: {  	_ =	strace $0x9000004D  }
0xa0: {  	s0 =	stileid.u32;
	[bflag:$0x2] =	sbarrier.arrive $0xFFFF  }
0xa1: {  	p0 =	sne.s32 s0, $0x0;
	s0 =	rddreg [dreg:$0x3]  }
0xa2: {  	s0 =	sadd.s32 @!p0 $0x100000, s0  }
0xa3: {  	[sflag:s0] =	ssyncadd.tile.s32 @!p0 $0x1;
	_ =	shalt  }
.Lfunc_end2:
_tile_overlayer_lowered:
.L_overlay_start_2:
0xa4: {  	(tag) =	ssettag $0x2  }
0xa5: {  	s0 =	rddreg [dreg:$0x0];
	s2 =	stileid.u32  }
0xa6: {  	s1 =	rddreg [dreg:$0x1];
	p0 =	sne.s32 s2, $0x0  }
0xa7: {  	s3 =	rddreg [dreg:$0x2];
	[bflag:$0x3] =	sbarrier.arrive $0xFFFF;
	s2 =	simm.s32 @!p0 $0x1C02  }
0xa8: {  	[timem:s3], [sflag:s2] =	dma.local @!p0 [hbm:s0], s1  }
0xa9: {  	s0 =	simm.s32 @!p0 $0x2  }
0xaa: {  	_ =	swait.ge @!p0 [sflag:s0], s1  }
0xab: {  	s1 =	ssub.s32 @!p0 $0x0, s1;
	[sflag:s0] =	ssyncset.done @!p0 $0x0  }
0xac: {  	[sflag:s0] =	ssyncadd.s32 @!p0 s1  }
0xad: {  	[bflag:$0x3] =	sbarrier.arrive $0xFFFF  }
0xae: {  	_ =	shalt  }

// kernel: kernel.8.cloned.1.call-start
scs
__scs_entry_jumppad:
0x0: {  	(pc) =	sbr.rel $0x88, $3  }
0x1: {  	(tag) =	ssettag $0x0;
	lr =	simm.s32 $0x1  }
0x2: {  	[smem:$0x3F9B] =	sst lr;
	_ =	strace $0xD0000000  }
0x3: {  	_ = 	snop  }
0x4: {  	_ = 	snop  }
0x5: {  	_ = 	snop  }
0x6: {  	_ = 	snop  }
0x7: {  	_ = 	snop  }
__scs_overlays_trampoline_lowered:
0x8: {  	[smem:$0x3FAA] =	sst s0  }
0x9: {  	[smem:$0x3FAB] =	sst s1  }
0xa: {  	[smem:$0x3FAC] =	sst s2  }
0xb: {  	[smem:$0x3FAD] =	sst s3  }
0xc: {  	[smem:$0x3FAE] =	sst s4  }
0xd: {  	[smem:$0x3FAF] =	sst s5  }
0xe: {  	[smem:$0x3FB0] =	sst s6  }
0xf: {  	[smem:$0x3FB1] =	sst s7  }
0x10: {  	[smem:$0x3FB2] =	sst s8  }
0x11: {  	[smem:$0x3FB3] =	sst s9;
	s0 =	simm.s32 @!p0 $0x0  }
0x12: {  	s1 =	sld [smem:$0x3F99];
	s0 =	simm.s32 @p0 $0x1  }
0x13: {  	[smem:$0x3FB4] =	sst s0;
	s0 =	simm.s32 @!p1 $0x0  }
0x14: {  	s2 =	sld [smem:$0x3F98];
	s0 =	simm.s32 @p1 $0x1  }
0x15: {  	[smem:$0x3FB5] =	sst s0;
	s0 =	simm.s32 @!p2 $0x0  }
0x16: {  	s3 =	sld [smem:$0x3FDB];
	s0 =	simm.s32 @p2 $0x1  }
0x17: {  	s4 =	simm.s32 $0x1BF5;
	[smem:$0x3FB7] =	sst s0  }
0x18: {  	s0 =	sld [smem:$0x3F9A];
	_ =	swait.ge [sflag:s4], $0x0  }
0x19: {  	s7 =	sld [smem:$0x3F9B]  }
0x1a: {  	s8 =	sadd.s32 $0xFFFFE003, lr  }
0x1b: {  	s9 =	sadd.s32 $0xFFFFFEF7, lr;
	s5 =	simm.s32 $0xFFFFFFFF;
	p2 =	slt.u32 s8, $0xFFFFF086  }
0x1c: {  	p1 =	slt.u32 s9, $0xF7A;
	s5 =	simm.s32 @!p2 $0x0  }
0x1d: {  	s5 =	simm.s32 @p1 $0x1;
	p0 =	seq.s32 s7, s2  }
0x1e: {  	s7 =	smul.u32 @!p0 $0xF7A, s2;
	p2 =	seq.s32 @!p0 s5, $0x0  }
0x1f: {  	s9 =	smul.u32 $0xF7A, s1;
	s8 =	simm.s32 @!p0 $0x1BF5;
	p2 =	por !p2, p0  }
0x20: {  	[sflag:s8] =	ssyncset.s32 @!p0 $0xFFFFF086;
	s6 =	sadd.s32 @!p0 s3, s7;
	s7 =	simm.s32 @!p0 $0x108  }
0x21: {  	s3 =	sadd.s32 s3, s9;
	s6 =	sadd.s32 @!p0 $0x88, s6;
	s7 =	simm.s32 @p2 $0x1082  }
0x22: {  	[simem:s7], [sflag:s8] =	dma.local @!p0 [hbm:s6], $0xF7A  }
0x23: {  	s9 =	sor.u32 $0xD0000000, s2;
	s6 =	simm.s32 $0x108;
	_ =	swait.ge @!p0 [sflag:s8], $0x0  }
0x24: {  	s3 =	sadd.s32 $0x88, s3;
	s6 =	simm.s32 @!p1 $0x1082;
	[sflag:s4] =	ssyncset.s32 $0xFFFFF086  }
0x25: {  	[simem:s6], [sflag:s4] =	dma.local [hbm:s3], $0xF7A  }
0x26: {  	[smem:$0x3F9B] =	sst s1;
	(tag) =	ssettag s2;
	_ =	strace s9  }
0x27: {  	s1 =	sld [smem:$0x3FAB]  }
0x28: {  	s2 =	sld [smem:$0x3FAC]  }
0x29: {  	s4 =	sld [smem:$0x3FAE]  }
0x2a: {  	p0 =	seq.s32 s5, $0x0;
	s5 =	sld [smem:$0x3FAF]  }
0x2b: {  	s6 =	sld [smem:$0x3FB0]  }
0x2c: {  	s7 =	sld [smem:$0x3FB1]  }
0x2d: {  	s3 =	simm.s32 $0x108;
	s8 =	sld [smem:$0x3FB2]  }
0x2e: {  	s3 =	simm.s32 @!p0 $0x1082;
	s9 =	sld [smem:$0x3FB3]  }
0x2f: {  	lr =	sadd.s32 s0, s3;
	s0 =	sld [smem:$0x3FAA]  }
0x30: {  	s3 =	sld [smem:$0x3FAD]  }
0x31: {  	[smem:$0x3FB6] =	sst s10  }
0x32: {  	s10 =	sld [smem:$0x3FB4];
	_ =	sdelay $0x3  }
0x33: {  	p0 =	seq.s32 s10, $0x1;
	s10 =	sld [smem:$0x3FB6];
	_ =	sdelay $0x3  }
0x34: {  	[smem:$0x3FB6] =	sst s10  }
0x35: {  	s10 =	sld [smem:$0x3FB5];
	_ =	sdelay $0x3  }
0x36: {  	p1 =	seq.s32 s10, $0x1;
	s10 =	sld [smem:$0x3FB6];
	_ =	sdelay $0x3  }
0x37: {  	[smem:$0x3FB6] =	sst s10  }
0x38: {  	s10 =	sld [smem:$0x3FB7]  }
0x39: {  	_ = 	snop;
	(pc) =	sbr.ind lr, $3  }
0x3a: {  	_ = 	snop  }
0x3b: {  	_ = 	snop  }
0x3c: {  	p2 =	seq.s32 s10, $0x1;
	s10 =	sld [smem:$0x3FB6]  }
0x3d: {  	_ =	shalt  }
0x3e: {  	_ =	shalt  }
0x3f: {  	_ =	shalt  }
0x40: {  	_ =	shalt  }
0x41: {  	_ =	shalt  }
0x42: {  	_ =	shalt  }
0x43: {  	_ =	shalt  }
0x44: {  	_ =	shalt  }
0x45: {  	_ =	shalt  }
0x46: {  	_ =	shalt  }
0x47: {  	_ =	shalt  }
0x48: {  	_ =	shalt  }
0x49: {  	_ =	shalt  }
0x4a: {  	_ =	shalt  }
0x4b: {  	_ =	shalt  }
0x4c: {  	_ =	shalt  }
0x4d: {  	_ =	shalt  }
0x4e: {  	_ =	shalt  }
0x4f: {  	_ =	shalt  }
0x50: {  	_ =	shalt  }
0x51: {  	_ =	shalt  }
0x52: {  	_ =	shalt  }
0x53: {  	_ =	shalt  }
0x54: {  	_ =	shalt  }
0x55: {  	_ =	shalt  }
0x56: {  	_ =	shalt  }
0x57: {  	_ =	shalt  }
0x58: {  	_ =	shalt  }
0x59: {  	_ =	shalt  }
0x5a: {  	_ =	shalt  }
0x5b: {  	_ =	shalt  }
0x5c: {  	_ =	shalt  }
0x5d: {  	_ =	shalt  }
0x5e: {  	_ =	shalt  }
0x5f: {  	_ =	shalt  }
0x60: {  	_ =	shalt  }
0x61: {  	_ =	shalt  }
0x62: {  	_ =	shalt  }
0x63: {  	_ =	shalt  }
0x64: {  	_ =	shalt  }
0x65: {  	_ =	shalt  }
0x66: {  	_ =	shalt  }
0x67: {  	_ =	shalt  }
0x68: {  	_ =	shalt  }
0x69: {  	_ =	shalt  }
0x6a: {  	_ =	shalt  }
0x6b: {  	_ =	shalt  }
0x6c: {  	_ =	shalt  }
0x6d: {  	_ =	shalt  }
0x6e: {  	_ =	shalt  }
0x6f: {  	_ =	shalt  }
0x70: {  	_ =	shalt  }
0x71: {  	_ =	shalt  }
0x72: {  	_ =	shalt  }
0x73: {  	_ =	shalt  }
0x74: {  	_ =	shalt  }
0x75: {  	_ =	shalt  }
0x76: {  	_ =	shalt  }
0x77: {  	_ =	shalt  }
0x78: {  	_ =	shalt  }
0x79: {  	_ =	shalt  }
0x7a: {  	_ =	shalt  }
0x7b: {  	_ =	shalt  }
0x7c: {  	_ =	shalt  }
0x7d: {  	_ =	shalt  }
0x7e: {  	_ =	shalt  }
0x7f: {  	_ =	shalt  }
0x80: {  	_ =	shalt  }
0x81: {  	_ =	shalt  }
0x82: {  	_ =	shalt  }
0x83: {  	_ =	shalt  }
0x84: {  	_ =	shalt  }
0x85: {  	_ =	shalt  }
0x86: {  	_ =	shalt  }
0x87: {  	_ =	shalt  }
.Lfunc_end0:
.L_simem_size_0:
called_computation_lowered:
.L_overlay_start_0:
0x88: {  	s2 =	sld [smem:$0x3FD9]  }
0x89: {  	s3 =	sld [smem:$0x3FFE];
	_ =	sdelay $0x1  }
0x8a: {  	s1 =	srdreg.scid  }
0x8b: {  	s0 =	sand.u32 $0x1, s1  }
0x8c: {  	s17 =	sshll.u32 s0, $0xA;
	s2 =	sadd.s32 s3, s2  }
0x8d: {  	s2 =	sadd.s32 s2, s17  }
0x8e: {  	[smem:$0x3FC2] =	sst s2  }
0x8f: {  	_ = 	snop  }
0x90: {  	s2 =	sld [smem:$0x3FD0];
	(tm) =	ssettm $0x1  }
0x91: {  	s18 =	sld [smem:$0x3FFB];
	_ =	sdelay $0x3  }
0x92: {  	_ =	strace s18  }
0x93: {  	s3 =	sld [smem:$0x3FFC];
	_ =	sdelay $0x3  }
0x94: {  	_ =	strace s3  }
0x95: {  	s3 =	sld [smem:$0x3FFD];
	_ =	sdelay $0x3  }
0x96: {  	_ =	strace s3  }
0x97: {  	_ =	strace $0x8FFFFFFF  }
0x98: {  	s19 =	sld [smem:$0x3FDB];
	_ =	sdelay $0x1  }
0x99: {  	s4 =	simm.s32 $_scs_section_size  }
0x9a: {  	s5 =	simm.s32 $_size__tile_overlayer_lowered;
	s6 =	simm.s32 $_tile_overlayer_lowered  }
0x9b: {  	s22 =	simm.s32 $0x1BFF;
	s21 =	sshll.u32 s6, $0x1;
	s3 =	sadd.s32 s4, s19  }
0x9c: {  	s7 =	simm.s32 $0x0;
	s20 =	sshll.u32 s5, $0x1;
	s5 =	sadd.s32 s21, s3  }
0x9d: {  	[timem:s7], [sflag:s22] =	dma.local [hbm:s5], s20  }
0x9e: {  	_ =	swait.ge [sflag:s22], s20  }
0x9f: {  	s4 =	ssub.s32 $0x0, s20;
	[sflag:s22] =	ssyncset.done $0x0  }
0xa0: {  	[sflag:s22] =	ssyncadd.s32 s4;
	_ =	sdelay $0x1  }
0xa1: {  	s23 =	simm.s32 $0x1B8B  }
0xa2: {  	_ =	swait.ge [sflag:s23], $0x1  }
0xa3: {  	[sflag:s23] =	ssyncset.done $0x0  }
0xa4: {  	s25 =	simm.s32 $0x1B8E;
	s24 =	sld [smem:$0x3FFE];
	[sflag:s23] =	ssyncadd.s32 $0xFFFFFFFF  }
0xa5: {  	s26 =	simm.s32 $execute0_lowered;
	[smem:$0x3FD2] =	sst s25  }
0xa6: {  	s5 =	sshll.u32 s26, $0x1;
	_ =	strace $0x80000046;
	[dreg:$0x1] =	wrdreg $0xFFFFFFFF  }
0xa7: {  	s28 =	simm.s32 $_size_execute0_lowered;
	s3 =	sadd.s32 s3, s5;
	[dreg:$0x0] =	wrdreg $0x0  }
0xa8: {  	s5 =	sshll.u32 s28, $0x1;
	[dreg:$0x2] =	wrdreg s3  }
0xa9: {  	[dreg:$0x3] =	wrdreg s5  }
0xaa: {  	[dreg:$0x4] =	wrdreg $0xC0  }
0xab: {  	_ =	task [dreg:s7], $0x5FFFF  }
0xac: {  	[dreg:$0x1] =	wrdreg $0xFFFFFFFF  }
0xad: {  	[dreg:$0x0] =	wrdreg $0x60  }
0xae: {  	[dreg:$0x2] =	wrdreg s2  }
0xaf: {  	[dreg:$0x3] =	wrdreg s24  }
0xb0: {  	[dreg:$0x4] =	wrdreg $0xB8000  }
0xb1: {  	[dreg:$0x5] =	wrdreg $0x9  }
0xb2: {  	_ =	task.clear_ibuf [dreg:s7], $0x6FFFF;
	_ =	strace $0x90000046  }
0xb3: {  	s29 =	simm.s32 $0x9;
	_ =	strace $0x80000048  }
0xb4: {  	_ =	swait.ge [sflag:s29], $0x1  }
0xb5: {  	[sflag:s29] =	ssyncadd.s32 $0xFFFFFFFF  }
0xb6: {  	_ =	strace $0x90000048  }
0xb7: {  	_ =	sfence  }
0xb8: {  	s30 =	sld [smem:$0x0];
	_ =	sdelay $0x2  }
0xb9: {  	s31 =	sshll.u32 s1, $0xD;
	s1 =	sshrl.u32 s1, $0x2  }
0xba: {  	s3 =	sand.u32 $0x4000, s31;
	s1 =	sadd.s32 s1, s30  }
0xbb: {  	s0 =	sor.u32 s3, s0;
	s1 =	sshll.u32 s1, $0x11  }
0xbc: {  	s0 =	sor.u32 s1, s0  }
0xbd: {  	s0 =	sadd.s32 $0x8F2B, s0  }
0xbe: {  	[sflag:s0] =	ssyncadd.remote.s32 $0x1  }
0xbf: {  	_ =	sfence.sel $0xFFFF  }
0xc0: {  	[dreg:$0x0] =	wrdreg $0xFFFFFFFF;
	(pc) =	sbr.abs _section_cstart, $3  }
0xc1: {  	[dreg:$0x1] =	wrdreg $0xFFFFFFFF  }
0xc2: {  	_ =	task.clear_ibuf [dreg:s7], $0x2FFFF;
	_ =	strace $0x9FFFFFFF  }
0xc3: {  	(tm) =	ssettm $0x7FFFFFFF  }
tec
execute0_lowered:
.L_overlay_start_1:
0x0: {  	(tag) =	ssettag $0x1  }
0x1: {  	s5 =	rddreg [dreg:$0x0]  }
0x2: {  	s4 =	rddreg [dreg:$0x1]  }
0x3: {  	s2 =	rddreg [dreg:$0x2]  }
0x4: {  	s0 =	rddreg [dreg:$0x3];
	s3 =	simm.s32 $0x0;
	s1 =	stileid.u32  }
0x5: {  	s6 =	srdreg.scid;
	s15 =	simm.s32 $0x7D;
	s16 =	simm.s32 $0x2800  }
0x6: {  	s20 =	simm.s32 $0x0;
	[smem:$0x7FF] =	sst s3;
	s7 =	smul.u32 $0x500, s1  }
0x7: {  	s6 =	sand.u32 $0x1, s6;
	s8 =	smul.u32 $0x4E000, s1;
	s11 =	sadd.s32 $0x7400, s4  }
0x8: {  	s9 =	smul.u32 $0x2700, s1;
	p0 =	sne.s32 s1, $0xF;
	s17 =	sshll.u32 s1, $0x6  }
0x9: {  	_ =	strace $0x80000047;
	s30 =	ssub.s32 $0x2, s6;
	s12 =	smul.u32 $0x27100, s6  }
0xa: {  	s31 =	smul.u32 $0x138800, s6;
	s17 =	sor.u32 $0x1C01, s17;
	s10 =	sshrl.u32 s30, $0x1  }
0xb: {  	s8 =	sshrl.u32 s8, $0x2;
	s5 =	sadd.s32 s5, s7;
	s13 =	ssub.s32 s30, s10  }
0xc: {  	s4 =	sadd.s32 s8, s2;
	s12 =	sadd.s32 s9, s12;
	s14 =	sshrl.u32 s31, $0x3  }
0xd: {  	s9 =	sadd.s32 $0x138000, s2;
	s6 =	sadd.s32 $0x4E00, s4;
	s7 =	sadd.s32 $0x9C00, s4  }
0xe: {  	s8 =	sadd.s32 $0xEA00, s4;
	s10 =	sadd.s32 s11, s12;
	s11 =	sadd.s32 s11, s14  }
0xf: {  	s12 =	smax.u32 s13, $0x1;
	s13 =	simm.s32 $0x1;
	s14 =	simm.s32 $0x6800  }
0x10: {  	v0 =	vimm.f32 $1.000000000e+00;
	v1 =	vimm.f32 $0.0e+00;
	s18 =	sshrl.u32 s4, $0x3;
	s19 =	sshrl.u32 @!p0 s9, $0x3;
	s11 =	sadd.s32 $0x27000, s11  }
.LBB2_1:
0x11: {  	[tilespmem:s3], [sflag:$0x1] =	stream.linear.gather [hbm4b:s5+s3], $0x2800, $0x38;
	[tilespmem:$0xDF10] =	vst v63  }
0x12: {  	_ =	swait.ge [sflag:s13], $0x2800  }
0x13: {  	[sflag:s13] =	ssyncset.done $0x0  }
0x14: {  	s21 =	simm.s32 $0x0;
	[sflag:s13] =	ssyncadd.s32 $0xFFFFD800  }
.LBB2_2:
0x15: {  	p1 =	sne.s32 s21, $0xF800  }
.Ltmp0:
0x16: {  	_ = 	snop;
	(pc) =	sbr.rel @p1 .LBB2_2-.Ltmp0, $3  }
0x17: {  	_ =	sdelay $0x1  }
0x18: {  	s22 =	sshra.s32 s21, $0x2  }
0x19: {  	s21 =	sadd.s32 $0x200, s21;
	[tilespmem:s22+$0x2800] =	vst v0  }
0x1a: {  	s21 =	simm.s32 $0x200;
	s22 =	simm.s32 $0x0  }
.LBB2_4:
0x1b: {  	p1 =	sne.s32 s21, $0x13600;
	[tilespmem:s22+$0x6800] =	vst v1;
	s22 =	smov.u32 s21;
	s21 =	sadd.s32 $0x200, s21  }
.Ltmp1:
0x1c: {  	(pc) =	sbr.rel @p1 .LBB2_4-.Ltmp1, $2  }
0x1d: {  	_ =	sdelay $0x2  }
0x1e: {  	s22 =	sshra.s32 s22, $0x2  }
0x1f: {  	[tilespmem:s22+$0x6800] =	vst v1  }
0x20: {  	[spmem:s4] =	stream.linear.scatter [tilespmem:s14], [sflag:$0x1], $0x4E00, $0x38;
	[tilespmem:$0xDF10] =	vst v63  }
0x21: {  	_ =	swait.ge [sflag:s13], $0x4E00  }
0x22: {  	[sflag:s13] =	ssyncset.done $0x0  }
0x23: {  	[sflag:s13] =	ssyncadd.s32 $0xFFFFB200  }
0x24: {  	[spmem:s6] =	stream.linear.scatter [tilespmem:s14], [sflag:$0x1], $0x4E00, $0x38;
	[tilespmem:$0xDF10] =	vst v63  }
0x25: {  	_ =	swait.ge [sflag:s13], $0x4E00  }
0x26: {  	[sflag:s13] =	ssyncset.done $0x0  }
0x27: {  	[sflag:s13] =	ssyncadd.s32 $0xFFFFB200  }
0x28: {  	[spmem:s7] =	stream.linear.scatter [tilespmem:s14], [sflag:$0x1], $0x4E00, $0x38;
	[tilespmem:$0xDF10] =	vst v63  }
0x29: {  	_ =	swait.ge [sflag:s13], $0x4E00  }
0x2a: {  	[sflag:s13] =	ssyncset.done $0x0  }
0x2b: {  	[sflag:s13] =	ssyncadd.s32 $0xFFFFB200  }
0x2c: {  	[spmem:s8] =	stream.linear.scatter [tilespmem:s14], [sflag:$0x1], $0x4E00, $0x38;
	[tilespmem:$0xDF10] =	vst v63  }
0x2d: {  	_ =	swait.ge [sflag:s13], $0x4E00  }
0x2e: {  	[sflag:s13] =	ssyncset.done $0x0  }
0x2f: {  	s21 =	simm.s32 @!p0 $0x6800;
	[sflag:s13] =	ssyncadd.s32 $0xFFFFB200  }
0x30: {  	[spmem:s9] =	stream.linear.scatter @!p0 [tilespmem:s21], [sflag:$0x1], $0x800, $0x38;
	[tilespmem:$0xDF10] =	vst v63  }
0x31: {  	s21 =	simm.s32 @!p0 $0x1  }
0x32: {  	_ =	swait.ge @!p0 [sflag:s21], $0x800  }
0x33: {  	[sflag:s21] =	ssyncset.done @!p0 $0x0  }
0x34: {  	[sflag:s21] =	ssyncadd.s32 @!p0 $0xFFFFF800  }
0x35: {  	s31 =	simm.s32 $0x0;
	[bflag:$0x0] =	sbarrier.arrive $0xFFFF  }
0x36: {  	[spmem:s2] =	stream.indirect.scatter.add.f32 [tilespmem:s16], [sflag:$0x1], $0x10, s31, s15, $0xb8;
	[tilespmem:$0xDF10] =	vst v63  }
0x37: {  	_ =	swait.ge [sflag:s13], $0x7D0  }
0x38: {  	s21 =	simm.s32 $0x200;
	[sflag:s13] =	ssyncset.done $0x0  }
.LBB2_6:
0x39: {  	s22 =	sshra.s32 s21, $0x2;
	[sflag:s13] =	ssyncadd.s32 $0xFFFFF830;
	p1 =	sne.s32 s21, $0x9E00  }
0x3a: {  	[spmem:s2] =	stream.indirect.scatter.add.f32 [tilespmem:s16], [sflag:$0x1], $0x10, s22, s15, $0xb8;
	[tilespmem:$0xDF10] =	vst v63  }
.Ltmp2:
0x3b: {  	_ = 	snop;
	(pc) =	sbr.rel @p1 .LBB2_6-.Ltmp2, $4  }
0x3c: {  	_ = 	snop  }
0x3d: {  	s21 =	sadd.s32 $0x200, s21  }
0x3e: {  	_ =	swait.ge [sflag:s13], $0x7D0  }
0x3f: {  	[sflag:s13] =	ssyncset.done $0x0  }
0x40: {  	[sflag:s13] =	ssyncadd.s32 $0xFFFFF830  }
0x41: {  	[bflag:$0x0] =	sbarrier.arrive $0xFFFF  }
0x42: {  	[hbm:s10], [sflag:s17] =	dma.local [spmem:s18], $0x2700  }
0x43: {  	s20 =	sadd.s32 $0x1, s20;
	_ =	swait.ge [sflag:s13], $0x2700  }
0x44: {  	p1 =	sne.s32 s20, s12;
	[sflag:s13] =	ssyncset.done $0x0  }
.Ltmp3:
0x45: {  	s21 =	simm.s32 @!p0 $0x1;
	[sflag:s13] =	ssyncadd.s32 $0xFFFFD900;
	(pc) =	sbr.rel @p1 .LBB2_1-.Ltmp3, $4  }
0x46: {  	[hbm:s11], [sflag:s17] =	dma.local @!p0 [spmem:s19], $0x100  }
0x47: {  	_ =	swait.ge @!p0 [sflag:s21], $0x100  }
0x48: {  	[sflag:s21] =	ssyncset.done @!p0 $0x0  }
0x49: {  	[sflag:s21] =	ssyncadd.s32 @!p0 $0xFFFFFF00  }
0x4a: {  	_ =	sfence.sel $0x180000  }
0x4b: {  	[bflag:$0x0] =	sbarrier.arrive $0xFFFF  }
0x4c: {  	p0 =	sne.s32 s1, $0x0;
	_ =	strace $0x90000047  }
0x4d: {  	s0 =	sadd.s32 @!p0 $0x100000, s0;
	[bflag:$0x2] =	sbarrier.arrive $0xFFFF  }
0x4e: {  	[sflag:s0] =	ssyncadd.tile.s32 @!p0 $0x1;
	_ =	shalt  }
.Lfunc_end2:
_tile_overlayer_lowered:
.L_overlay_start_2:
0x4f: {  	(tag) =	ssettag $0x2  }
0x50: {  	s0 =	rddreg [dreg:$0x0];
	s2 =	stileid.u32  }
0x51: {  	s1 =	rddreg [dreg:$0x1];
	p0 =	sne.s32 s2, $0x0  }
0x52: {  	s3 =	rddreg [dreg:$0x2];
	[bflag:$0x3] =	sbarrier.arrive $0xFFFF;
	s2 =	simm.s32 @!p0 $0x1C01  }
0x53: {  	[timem:s3], [sflag:s2] =	dma.local @!p0 [hbm:s0], s1  }
0x54: {  	s0 =	simm.s32 @!p0 $0x1  }
0x55: {  	_ =	swait.ge @!p0 [sflag:s0], s1  }
0x56: {  	s1 =	ssub.s32 @!p0 $0x0, s1;
	[sflag:s0] =	ssyncset.done @!p0 $0x0  }
0x57: {  	[sflag:s0] =	ssyncadd.s32 @!p0 s1  }
0x58: {  	[bflag:$0x3] =	sbarrier.arrive $0xFFFF  }
0x59: {  	_ =	shalt  }

</sc_bundles>
